<compile_context>
chip_gen: v7x
topology: tpu7x:2x2x1
jax: 0.10.2.dev20260603
libtpu: 0.0.44.dev20260713+nightly
codegen_flags: <defaults>
</compile_context>

<pallas_src>
import functools

import jax
import jax.numpy as jnp
from jax import lax
from jax.experimental import pallas as pl
from jax.experimental.pallas import tpu as pltpu
from jax.experimental.pallas import tpu_sc as plsc

D_MODEL = 2048
S = 8192
TABLE_ROWS = 72

NC = 2
NS = 16
NW = NC * NS
B_PER_W = S // NW
CH = 16
NCH = B_PER_W // CH


def _table_body(rank_ref, file_ref, flag_ref, out_ref):
    rank_part = jnp.concatenate(
        [jnp.broadcast_to(rank_ref[k:k + 1, :], (8, D_MODEL)) for k in range(8)],
        axis=0)
    file_part = jnp.concatenate([file_ref[...]] * 8, axis=0)
    out_ref[0:64, :] = rank_part + file_part
    out_ref[64:69, :] = flag_ref[...]


KDUP = 8


def _build_table(rank_embed, file_embed, flag_pad):
    return pl.pallas_call(
        _table_body,
        grid=(KDUP,),
        out_specs=pl.BlockSpec((TABLE_ROWS, D_MODEL), lambda i: (i, 0)),
        out_shape=jax.ShapeDtypeStruct((KDUP * TABLE_ROWS, D_MODEL),
                                       jnp.float32),
    )(rank_embed, file_embed, flag_pad)


_mesh = plsc.VectorSubcoreMesh(core_axis_name="c", subcore_axis_name="s")


NBUF = 3


@functools.partial(
    pl.kernel,
    mesh=_mesh,
    out_type=jax.ShapeDtypeStruct((S, D_MODEL), jnp.float32),
    scratch_types=[
        pltpu.VMEM((NCH, CH), jnp.int32),
    ]
    + [pltpu.VMEM((CH, D_MODEL), jnp.float32) for _ in range(NBUF)]
    + [pltpu.SemaphoreType.DMA for _ in range(2 * NBUF)],
)
def _gather_kernel(idx_hbm, table_hbm, out_hbm, idx_v, *scr):
    bufs = scr[:NBUF]
    gsems = scr[NBUF:2 * NBUF]
    ssems = scr[2 * NBUF:]
    wid = lax.axis_index("s") * NC + lax.axis_index("c")
    base = wid * B_PER_W
    pltpu.sync_copy(idx_hbm.at[wid], idx_v)
    gcp = [None] * NBUF
    scp = [None] * NBUF
    for b in range(min(NBUF, NCH)):
        gcp[b] = pltpu.async_copy(table_hbm.at[idx_v.at[b]], bufs[b], gsems[b])
    for c in range(NCH):
        b = c % NBUF
        gcp[b].wait()
        scp[b] = pltpu.async_copy(bufs[b], out_hbm.at[pl.ds(base + c * CH, CH)],
                                  ssems[b])
        if c + NBUF < NCH:
            scp[b].wait()
            gcp[b] = pltpu.async_copy(
                table_hbm.at[idx_v.at[c + NBUF]], bufs[b], gsems[b])
    for c in range(max(0, NCH - NBUF), NCH):
        scp[c % NBUF].wait()


def kernel(positions, rank_embed, file_embed, flag_embed):
    positions = positions.astype(jnp.int32)
    flag_pad = flag_embed.astype(jnp.float32)
    table = _build_table(rank_embed.astype(jnp.float32),
                         file_embed.astype(jnp.float32), flag_pad)
    idx = positions.reshape(NW, NCH, CH)
    rep_off = (jnp.arange(NW, dtype=jnp.int32) % KDUP * TABLE_ROWS)
    idx = idx + rep_off[:, None, None]
    return _gather_kernel(idx, table)

# --- scband reference (transcript-rebuilt; emitter-appended) ---
"""Pipeline reference for scband-chess-position-encoding-35656818491814 (READ-ONLY COPY).

The authoritative reference and input builder live on the scoring server;
editing this copy changes nothing except your own understanding.
"""

import jax, jax.numpy as jnp
import numpy as np

D_MODEL = 2048
S = 8192

def setup_inputs(seed: int = 0) -> dict:
    key = jax.random.key(seed)
    k1, k2, k3, k4 = jax.random.split(key, 4)
    positions = jax.random.randint(k1, (S,), 0, 69, dtype=jnp.int32)
    rank_embed = jax.random.normal(k2, (8, D_MODEL), dtype=jnp.float32) * 0.02
    file_embed = jax.random.normal(k3, (8, D_MODEL), dtype=jnp.float32) * 0.02
    flag_embed = jax.random.normal(k4, (5, D_MODEL), dtype=jnp.float32) * 0.02
    return {"positions": positions, "rank_embed": rank_embed, "file_embed": file_embed, "flag_embed": flag_embed}

def reference(positions, rank_embed, file_embed, flag_embed):
    positions = positions.astype(jnp.int32)
    square_mask = positions < 64
    # safe indices for both branches (clamped so out-of-branch lanes stay in range)
    safe_sq = jnp.where(square_mask, positions, 0)
    ranks = safe_sq // 8
    files = safe_sq % 8
    safe_flag = jnp.where(square_mask, 0, positions - 64)
    sq_emb = jnp.take(rank_embed, ranks, axis=0) + jnp.take(file_embed, files, axis=0)
    fl_emb = jnp.take(flag_embed, safe_flag, axis=0)
    out = jnp.where(square_mask[:, None], sq_emb, fl_emb)
    return out

if __name__ == "__main__":
    import jax
    _d = setup_inputs()
    print(jax.jit(kernel)(*tuple(_d.values())))

</pallas_src>

<mosaic_0001>
#map = affine_map<(d0, d1) -> (0, 0, 0)>
#map1 = affine_map<(d0, d1) -> (0, 0)>
module attributes {stable_mosaic.version = 14 : i64} {
  func.func @_gather_kernel(%arg0: i32, %arg1: i32, %arg2: memref<32x16x16xi32, #tpu.memory_space<hbm>>, %arg3: memref<576x2048xf32, #tpu.memory_space<hbm>>, %arg4: memref<8192x2048xf32, #tpu.memory_space<hbm>>, %arg5: memref<16x16xi32, #tpu.memory_space<vmem>>, %arg6: memref<16x2048xf32, #tpu.memory_space<vmem>>, %arg7: memref<16x2048xf32, #tpu.memory_space<vmem>>, %arg8: memref<16x2048xf32, #tpu.memory_space<vmem>>, %arg9: memref<!tpu.dma_semaphore, #tpu.memory_space<semaphore_mem>>, %arg10: memref<!tpu.dma_semaphore, #tpu.memory_space<semaphore_mem>>, %arg11: memref<!tpu.dma_semaphore, #tpu.memory_space<semaphore_mem>>, %arg12: memref<!tpu.dma_semaphore, #tpu.memory_space<semaphore_mem>>, %arg13: memref<!tpu.dma_semaphore, #tpu.memory_space<semaphore_mem>>, %arg14: memref<!tpu.dma_semaphore, #tpu.memory_space<semaphore_mem>>) attributes {dimension_semantics = [#tpu.dimension_semantics<core_parallel>, #tpu.dimension_semantics<subcore_parallel>], iteration_bounds = array<i64: 2, 16>, scalar_prefetch = 0 : i64, scratch_operands = 10 : i64, tpu.core_type = #tpu.core_type<sc_vector_subcore>, window_params = [{transform_indices = #map}, {transform_indices = #map1}, {transform_indices = #map1}]} {
    %mul3A = arith.constant 2 : i32
    %mul3A_0 = arith.muli %arg1, %mul3A : i32
    %add3A = arith.addi %mul3A_0, %arg0 : i32
    %mul3A_1 = arith.constant 256 : i32
    %mul3A_2 = arith.muli %add3A, %mul3A_1 : i32
    "tpu.region"() ({
      %run_scoped3A = tpu.sem_alloc : memref<!tpu.dma_semaphore, #tpu.memory_space<semaphore_mem>>
      %dma_start3A_385 = arith.constant 0 : i32
      %dma_start3A_386 = arith.constant 0 : i32
      %dma_start3A_387 = tpu.memref_slice %arg2[%add3A, %dma_start3A_385, %dma_start3A_386] : memref<32x16x16xi32, #tpu.memory_space<hbm>> -> memref<1x16x16xi32, #tpu.memory_space<hbm>>
      %dma_start3A_388 = tpu.memref_squeeze %dma_start3A_387 : memref<1x16x16xi32, #tpu.memory_space<hbm>> -> memref<16x16xi32, #tpu.memory_space<hbm>>
      %dma_start3A_389 = arith.constant 0 : i32
      %dma_start3A_390 = arith.constant 0 : i32
      %dma_start3A_391 = tpu.memref_slice %arg2[%add3A, %dma_start3A_389, %dma_start3A_390] : memref<32x16x16xi32, #tpu.memory_space<hbm>> -> memref<1x16x16xi32, #tpu.memory_space<hbm>>
      %dma_start3A_392 = tpu.memref_squeeze %dma_start3A_391 : memref<1x16x16xi32, #tpu.memory_space<hbm>> -> memref<16x16xi32, #tpu.memory_space<hbm>>
      tpu.enqueue_dma source(%dma_start3A_392 : memref<16x16xi32, #tpu.memory_space<hbm>>) target(%arg5 : memref<16x16xi32, #tpu.memory_space<vmem>>) target_semaphore(%run_scoped3A : memref<!tpu.dma_semaphore, #tpu.memory_space<semaphore_mem>>)
      %dma_wait3A_393 = arith.constant 0 : i32
      %dma_wait3A_394 = arith.constant 0 : i32
      %dma_wait3A_395 = tpu.memref_slice %arg2[%add3A, %dma_wait3A_393, %dma_wait3A_394] : memref<32x16x16xi32, #tpu.memory_space<hbm>> -> memref<1x16x16xi32, #tpu.memory_space<hbm>>
      %dma_wait3A_396 = tpu.memref_squeeze %dma_wait3A_395 : memref<1x16x16xi32, #tpu.memory_space<hbm>> -> memref<16x16xi32, #tpu.memory_space<hbm>>
      %dma_wait3A_397 = arith.constant 0 : i32
      %dma_wait3A_398 = arith.constant 0 : i32
      %dma_wait3A_399 = tpu.memref_slice %arg2[%add3A, %dma_wait3A_397, %dma_wait3A_398] : memref<32x16x16xi32, #tpu.memory_space<hbm>> -> memref<1x16x16xi32, #tpu.memory_space<hbm>>
      %dma_wait3A_400 = tpu.memref_squeeze %dma_wait3A_399 : memref<1x16x16xi32, #tpu.memory_space<hbm>> -> memref<16x16xi32, #tpu.memory_space<hbm>>
      tpu.wait_dma2 semaphore(%run_scoped3A : memref<!tpu.dma_semaphore, #tpu.memory_space<semaphore_mem>>) src(%dma_wait3A_400 : memref<16x16xi32, #tpu.memory_space<hbm>>) dst(%arg5 : memref<16x16xi32, #tpu.memory_space<vmem>>)
      tpu.yield
    }) : () -> ()
    %dma_start3A = arith.constant 0 : i32
    %dma_start3A_3 = arith.constant 0 : i32
    %dma_start3A_4 = tpu.memref_slice %arg5[%dma_start3A, %dma_start3A_3] : memref<16x16xi32, #tpu.memory_space<vmem>> -> memref<1x16xi32, #tpu.memory_space<vmem>>
    %dma_start3A_5 = tpu.memref_squeeze %dma_start3A_4 : memref<1x16xi32, #tpu.memory_space<vmem>> -> memref<16xi32, #tpu.memory_space<vmem>>
    %dma_start3A_6 = arith.constant 0 : i32
    %dma_start3A_7 = arith.constant 0 : i32
    %dma_start3A_8 = tpu.memref_slice %arg3[%dma_start3A_6, %dma_start3A_7] : memref<576x2048xf32, #tpu.memory_space<hbm>> -> memref<576x2048xf32, #tpu.memory_space<hbm>>
    tpu.enqueue_indirect_dma source(%dma_start3A_8 : memref<576x2048xf32, #tpu.memory_space<hbm>>) target(%arg6 : memref<16x2048xf32, #tpu.memory_space<vmem>>) offsets(%dma_start3A_5 : memref<16xi32, #tpu.memory_space<vmem>>) semaphore(%arg9 : memref<!tpu.dma_semaphore, #tpu.memory_space<semaphore_mem>>)
    %dma_start3A_9 = arith.constant 1 : i32
    %dma_start3A_10 = arith.constant 0 : i32
    %dma_start3A_11 = tpu.memref_slice %arg5[%dma_start3A_9, %dma_start3A_10] : memref<16x16xi32, #tpu.memory_space<vmem>> -> memref<1x16xi32, #tpu.memory_space<vmem>>
    %dma_start3A_12 = tpu.memref_squeeze %dma_start3A_11 : memref<1x16xi32, #tpu.memory_space<vmem>> -> memref<16xi32, #tpu.memory_space<vmem>>
    %dma_start3A_13 = arith.constant 0 : i32
    %dma_start3A_14 = arith.constant 0 : i32
    %dma_start3A_15 = tpu.memref_slice %arg3[%dma_start3A_13, %dma_start3A_14] : memref<576x2048xf32, #tpu.memory_space<hbm>> -> memref<576x2048xf32, #tpu.memory_space<hbm>>
    tpu.enqueue_indirect_dma source(%dma_start3A_15 : memref<576x2048xf32, #tpu.memory_space<hbm>>) target(%arg7 : memref<16x2048xf32, #tpu.memory_space<vmem>>) offsets(%dma_start3A_12 : memref<16xi32, #tpu.memory_space<vmem>>) semaphore(%arg10 : memref<!tpu.dma_semaphore, #tpu.memory_space<semaphore_mem>>)
    %dma_start3A_16 = arith.constant 2 : i32
    %dma_start3A_17 = arith.constant 0 : i32
    %dma_start3A_18 = tpu.memref_slice %arg5[%dma_start3A_16, %dma_start3A_17] : memref<16x16xi32, #tpu.memory_space<vmem>> -> memref<1x16xi32, #tpu.memory_space<vmem>>
    %dma_start3A_19 = tpu.memref_squeeze %dma_start3A_18 : memref<1x16xi32, #tpu.memory_space<vmem>> -> memref<16xi32, #tpu.memory_space<vmem>>
    %dma_start3A_20 = arith.constant 0 : i32
    %dma_start3A_21 = arith.constant 0 : i32
    %dma_start3A_22 = tpu.memref_slice %arg3[%dma_start3A_20, %dma_start3A_21] : memref<576x2048xf32, #tpu.memory_space<hbm>> -> memref<576x2048xf32, #tpu.memory_space<hbm>>
    tpu.enqueue_indirect_dma source(%dma_start3A_22 : memref<576x2048xf32, #tpu.memory_space<hbm>>) target(%arg8 : memref<16x2048xf32, #tpu.memory_space<vmem>>) offsets(%dma_start3A_19 : memref<16xi32, #tpu.memory_space<vmem>>) semaphore(%arg11 : memref<!tpu.dma_semaphore, #tpu.memory_space<semaphore_mem>>)
    %dma_wait3A = arith.constant 0 : i32
    %dma_wait3A_23 = arith.constant 0 : i32
    %dma_wait3A_24 = tpu.memref_slice %arg5[%dma_wait3A, %dma_wait3A_23] : memref<16x16xi32, #tpu.memory_space<vmem>> -> memref<1x16xi32, #tpu.memory_space<vmem>>
    %dma_wait3A_25 = tpu.memref_squeeze %dma_wait3A_24 : memref<1x16xi32, #tpu.memory_space<vmem>> -> memref<16xi32, #tpu.memory_space<vmem>>
    %dma_wait3A_26 = arith.constant 0 : i32
    %dma_wait3A_27 = arith.constant 0 : i32
    %dma_wait3A_28 = tpu.memref_slice %arg3[%dma_wait3A_26, %dma_wait3A_27] : memref<576x2048xf32, #tpu.memory_space<hbm>> -> memref<576x2048xf32, #tpu.memory_space<hbm>>
    tpu.wait_indirect_dma semaphore(%arg9 : memref<!tpu.dma_semaphore, #tpu.memory_space<semaphore_mem>>) src(%dma_wait3A_28 : memref<576x2048xf32, #tpu.memory_space<hbm>>) dst(%arg6 : memref<16x2048xf32, #tpu.memory_space<vmem>>)
    %add3A_29 = arith.constant 0 : i32
    %add3A_30 = arith.addi %mul3A_2, %add3A_29 : i32
    %dma_start3A_31 = arith.constant 0 : i32
    %dma_start3A_32 = tpu.memref_slice %arg4[%add3A_30, %dma_start3A_31] : memref<8192x2048xf32, #tpu.memory_space<hbm>> -> memref<16x2048xf32, #tpu.memory_space<hbm>>
    %dma_start3A_33 = arith.constant 0 : i32
    %dma_start3A_34 = tpu.memref_slice %arg4[%add3A_30, %dma_start3A_33] : memref<8192x2048xf32, #tpu.memory_space<hbm>> -> memref<16x2048xf32, #tpu.memory_space<hbm>>
    tpu.enqueue_dma source(%arg6 : memref<16x2048xf32, #tpu.memory_space<vmem>>) target(%dma_start3A_34 : memref<16x2048xf32, #tpu.memory_space<hbm>>) target_semaphore(%arg12 : memref<!tpu.dma_semaphore, #tpu.memory_space<semaphore_mem>>)
    %dma_wait3A_35 = arith.constant 0 : i32
    %dma_wait3A_36 = tpu.memref_slice %arg4[%add3A_30, %dma_wait3A_35] : memref<8192x2048xf32, #tpu.memory_space<hbm>> -> memref<16x2048xf32, #tpu.memory_space<hbm>>
    %dma_wait3A_37 = arith.constant 0 : i32
    %dma_wait3A_38 = tpu.memref_slice %arg4[%add3A_30, %dma_wait3A_37] : memref<8192x2048xf32, #tpu.memory_space<hbm>> -> memref<16x2048xf32, #tpu.memory_space<hbm>>
    tpu.wait_dma2 semaphore(%arg12 : memref<!tpu.dma_semaphore, #tpu.memory_space<semaphore_mem>>) src(%arg6 : memref<16x2048xf32, #tpu.memory_space<vmem>>) dst(%dma_wait3A_38 : memref<16x2048xf32, #tpu.memory_space<hbm>>)
    %dma_start3A_39 = arith.constant 3 : i32
    %dma_start3A_40 = arith.constant 0 : i32
    %dma_start3A_41 = tpu.memref_slice %arg5[%dma_start3A_39, %dma_start3A_40] : memref<16x16xi32, #tpu.memory_space<vmem>> -> memref<1x16xi32, #tpu.memory_space<vmem>>
    %dma_start3A_42 = tpu.memref_squeeze %dma_start3A_41 : memref<1x16xi32, #tpu.memory_space<vmem>> -> memref<16xi32, #tpu.memory_space<vmem>>
    %dma_start3A_43 = arith.constant 0 : i32
    %dma_start3A_44 = arith.constant 0 : i32
    %dma_start3A_45 = tpu.memref_slice %arg3[%dma_start3A_43, %dma_start3A_44] : memref<576x2048xf32, #tpu.memory_space<hbm>> -> memref<576x2048xf32, #tpu.memory_space<hbm>>
    tpu.enqueue_indirect_dma source(%dma_start3A_45 : memref<576x2048xf32, #tpu.memory_space<hbm>>) target(%arg6 : memref<16x2048xf32, #tpu.memory_space<vmem>>) offsets(%dma_start3A_42 : memref<16xi32, #tpu.memory_space<vmem>>) semaphore(%arg9 : memref<!tpu.dma_semaphore, #tpu.memory_space<semaphore_mem>>)
    %dma_wait3A_46 = arith.constant 1 : i32
    %dma_wait3A_47 = arith.constant 0 : i32
    %dma_wait3A_48 = tpu.memref_slice %arg5[%dma_wait3A_46, %dma_wait3A_47] : memref<16x16xi32, #tpu.memory_space<vmem>> -> memref<1x16xi32, #tpu.memory_space<vmem>>
    %dma_wait3A_49 = tpu.memref_squeeze %dma_wait3A_48 : memref<1x16xi32, #tpu.memory_space<vmem>> -> memref<16xi32, #tpu.memory_space<vmem>>
    %dma_wait3A_50 = arith.constant 0 : i32
    %dma_wait3A_51 = arith.constant 0 : i32
    %dma_wait3A_52 = tpu.memref_slice %arg3[%dma_wait3A_50, %dma_wait3A_51] : memref<576x2048xf32, #tpu.memory_space<hbm>> -> memref<576x2048xf32, #tpu.memory_space<hbm>>
    tpu.wait_indirect_dma semaphore(%arg10 : memref<!tpu.dma_semaphore, #tpu.memory_space<semaphore_mem>>) src(%dma_wait3A_52 : memref<576x2048xf32, #tpu.memory_space<hbm>>) dst(%arg7 : memref<16x2048xf32, #tpu.memory_space<vmem>>)
    %add3A_53 = arith.constant 16 : i32
    %add3A_54 = arith.addi %mul3A_2, %add3A_53 : i32
    %dma_start3A_55 = arith.constant 0 : i32
    %dma_start3A_56 = tpu.memref_slice %arg4[%add3A_54, %dma_start3A_55] : memref<8192x2048xf32, #tpu.memory_space<hbm>> -> memref<16x2048xf32, #tpu.memory_space<hbm>>
    %dma_start3A_57 = arith.constant 0 : i32
    %dma_start3A_58 = tpu.memref_slice %arg4[%add3A_54, %dma_start3A_57] : memref<8192x2048xf32, #tpu.memory_space<hbm>> -> memref<16x2048xf32, #tpu.memory_space<hbm>>
    tpu.enqueue_dma source(%arg7 : memref<16x2048xf32, #tpu.memory_space<vmem>>) target(%dma_start3A_58 : memref<16x2048xf32, #tpu.memory_space<hbm>>) target_semaphore(%arg13 : memref<!tpu.dma_semaphore, #tpu.memory_space<semaphore_mem>>)
    %dma_wait3A_59 = arith.constant 0 : i32
    %dma_wait3A_60 = tpu.memref_slice %arg4[%add3A_54, %dma_wait3A_59] : memref<8192x2048xf32, #tpu.memory_space<hbm>> -> memref<16x2048xf32, #tpu.memory_space<hbm>>
    %dma_wait3A_61 = arith.constant 0 : i32
    %dma_wait3A_62 = tpu.memref_slice %arg4[%add3A_54, %dma_wait3A_61] : memref<8192x2048xf32, #tpu.memory_space<hbm>> -> memref<16x2048xf32, #tpu.memory_space<hbm>>
    tpu.wait_dma2 semaphore(%arg13 : memref<!tpu.dma_semaphore, #tpu.memory_space<semaphore_mem>>) src(%arg7 : memref<16x2048xf32, #tpu.memory_space<vmem>>) dst(%dma_wait3A_62 : memref<16x2048xf32, #tpu.memory_space<hbm>>)
    %dma_start3A_63 = arith.constant 4 : i32
    %dma_start3A_64 = arith.constant 0 : i32
    %dma_start3A_65 = tpu.memref_slice %arg5[%dma_start3A_63, %dma_start3A_64] : memref<16x16xi32, #tpu.memory_space<vmem>> -> memref<1x16xi32, #tpu.memory_space<vmem>>
    %dma_start3A_66 = tpu.memref_squeeze %dma_start3A_65 : memref<1x16xi32, #tpu.memory_space<vmem>> -> memref<16xi32, #tpu.memory_space<vmem>>
    %dma_start3A_67 = arith.constant 0 : i32
    %dma_start3A_68 = arith.constant 0 : i32
    %dma_start3A_69 = tpu.memref_slice %arg3[%dma_start3A_67, %dma_start3A_68] : memref<576x2048xf32, #tpu.memory_space<hbm>> -> memref<576x2048xf32, #tpu.memory_space<hbm>>
    tpu.enqueue_indirect_dma source(%dma_start3A_69 : memref<576x2048xf32, #tpu.memory_space<hbm>>) target(%arg7 : memref<16x2048xf32, #tpu.memory_space<vmem>>) offsets(%dma_start3A_66 : memref<16xi32, #tpu.memory_space<vmem>>) semaphore(%arg10 : memref<!tpu.dma_semaphore, #tpu.memory_space<semaphore_mem>>)
    %dma_wait3A_70 = arith.constant 2 : i32
    %dma_wait3A_71 = arith.constant 0 : i32
    %dma_wait3A_72 = tpu.memref_slice %arg5[%dma_wait3A_70, %dma_wait3A_71] : memref<16x16xi32, #tpu.memory_space<vmem>> -> memref<1x16xi32, #tpu.memory_space<vmem>>
    %dma_wait3A_73 = tpu.memref_squeeze %dma_wait3A_72 : memref<1x16xi32, #tpu.memory_space<vmem>> -> memref<16xi32, #tpu.memory_space<vmem>>
    %dma_wait3A_74 = arith.constant 0 : i32
    %dma_wait3A_75 = arith.constant 0 : i32
    %dma_wait3A_76 = tpu.memref_slice %arg3[%dma_wait3A_74, %dma_wait3A_75] : memref<576x2048xf32, #tpu.memory_space<hbm>> -> memref<576x2048xf32, #tpu.memory_space<hbm>>
    tpu.wait_indirect_dma semaphore(%arg11 : memref<!tpu.dma_semaphore, #tpu.memory_space<semaphore_mem>>) src(%dma_wait3A_76 : memref<576x2048xf32, #tpu.memory_space<hbm>>) dst(%arg8 : memref<16x2048xf32, #tpu.memory_space<vmem>>)
    %add3A_77 = arith.constant 32 : i32
    %add3A_78 = arith.addi %mul3A_2, %add3A_77 : i32
    %dma_start3A_79 = arith.constant 0 : i32
    %dma_start3A_80 = tpu.memref_slice %arg4[%add3A_78, %dma_start3A_79] : memref<8192x2048xf32, #tpu.memory_space<hbm>> -> memref<16x2048xf32, #tpu.memory_space<hbm>>
    %dma_start3A_81 = arith.constant 0 : i32
    %dma_start3A_82 = tpu.memref_slice %arg4[%add3A_78, %dma_start3A_81] : memref<8192x2048xf32, #tpu.memory_space<hbm>> -> memref<16x2048xf32, #tpu.memory_space<hbm>>
    tpu.enqueue_dma source(%arg8 : memref<16x2048xf32, #tpu.memory_space<vmem>>) target(%dma_start3A_82 : memref<16x2048xf32, #tpu.memory_space<hbm>>) target_semaphore(%arg14 : memref<!tpu.dma_semaphore, #tpu.memory_space<semaphore_mem>>)
    %dma_wait3A_83 = arith.constant 0 : i32
    %dma_wait3A_84 = tpu.memref_slice %arg4[%add3A_78, %dma_wait3A_83] : memref<8192x2048xf32, #tpu.memory_space<hbm>> -> memref<16x2048xf32, #tpu.memory_space<hbm>>
    %dma_wait3A_85 = arith.constant 0 : i32
    %dma_wait3A_86 = tpu.memref_slice %arg4[%add3A_78, %dma_wait3A_85] : memref<8192x2048xf32, #tpu.memory_space<hbm>> -> memref<16x2048xf32, #tpu.memory_space<hbm>>
    tpu.wait_dma2 semaphore(%arg14 : memref<!tpu.dma_semaphore, #tpu.memory_space<semaphore_mem>>) src(%arg8 : memref<16x2048xf32, #tpu.memory_space<vmem>>) dst(%dma_wait3A_86 : memref<16x2048xf32, #tpu.memory_space<hbm>>)
    %dma_start3A_87 = arith.constant 5 : i32
    %dma_start3A_88 = arith.constant 0 : i32
    %dma_start3A_89 = tpu.memref_slice %arg5[%dma_start3A_87, %dma_start3A_88] : memref<16x16xi32, #tpu.memory_space<vmem>> -> memref<1x16xi32, #tpu.memory_space<vmem>>
    %dma_start3A_90 = tpu.memref_squeeze %dma_start3A_89 : memref<1x16xi32, #tpu.memory_space<vmem>> -> memref<16xi32, #tpu.memory_space<vmem>>
    %dma_start3A_91 = arith.constant 0 : i32
    %dma_start3A_92 = arith.constant 0 : i32
    %dma_start3A_93 = tpu.memref_slice %arg3[%dma_start3A_91, %dma_start3A_92] : memref<576x2048xf32, #tpu.memory_space<hbm>> -> memref<576x2048xf32, #tpu.memory_space<hbm>>
    tpu.enqueue_indirect_dma source(%dma_start3A_93 : memref<576x2048xf32, #tpu.memory_space<hbm>>) target(%arg8 : memref<16x2048xf32, #tpu.memory_space<vmem>>) offsets(%dma_start3A_90 : memref<16xi32, #tpu.memory_space<vmem>>) semaphore(%arg11 : memref<!tpu.dma_semaphore, #tpu.memory_space<semaphore_mem>>)
    %dma_wait3A_94 = arith.constant 3 : i32
    %dma_wait3A_95 = arith.constant 0 : i32
    %dma_wait3A_96 = tpu.memref_slice %arg5[%dma_wait3A_94, %dma_wait3A_95] : memref<16x16xi32, #tpu.memory_space<vmem>> -> memref<1x16xi32, #tpu.memory_space<vmem>>
    %dma_wait3A_97 = tpu.memref_squeeze %dma_wait3A_96 : memref<1x16xi32, #tpu.memory_space<vmem>> -> memref<16xi32, #tpu.memory_space<vmem>>
    %dma_wait3A_98 = arith.constant 0 : i32
    %dma_wait3A_99 = arith.constant 0 : i32
    %dma_wait3A_100 = tpu.memref_slice %arg3[%dma_wait3A_98, %dma_wait3A_99] : memref<576x2048xf32, #tpu.memory_space<hbm>> -> memref<576x2048xf32, #tpu.memory_space<hbm>>
    tpu.wait_indirect_dma semaphore(%arg9 : memref<!tpu.dma_semaphore, #tpu.memory_space<semaphore_mem>>) src(%dma_wait3A_100 : memref<576x2048xf32, #tpu.memory_space<hbm>>) dst(%arg6 : memref<16x2048xf32, #tpu.memory_space<vmem>>)
    %add3A_101 = arith.constant 48 : i32
    %add3A_102 = arith.addi %mul3A_2, %add3A_101 : i32
    %dma_start3A_103 = arith.constant 0 : i32
    %dma_start3A_104 = tpu.memref_slice %arg4[%add3A_102, %dma_start3A_103] : memref<8192x2048xf32, #tpu.memory_space<hbm>> -> memref<16x2048xf32, #tpu.memory_space<hbm>>
    %dma_start3A_105 = arith.constant 0 : i32
    %dma_start3A_106 = tpu.memref_slice %arg4[%add3A_102, %dma_start3A_105] : memref<8192x2048xf32, #tpu.memory_space<hbm>> -> memref<16x2048xf32, #tpu.memory_space<hbm>>
    tpu.enqueue_dma source(%arg6 : memref<16x2048xf32, #tpu.memory_space<vmem>>) target(%dma_start3A_106 : memref<16x2048xf32, #tpu.memory_space<hbm>>) target_semaphore(%arg12 : memref<!tpu.dma_semaphore, #tpu.memory_space<semaphore_mem>>)
    %dma_wait3A_107 = arith.constant 0 : i32
    %dma_wait3A_108 = tpu.memref_slice %arg4[%add3A_102, %dma_wait3A_107] : memref<8192x2048xf32, #tpu.memory_space<hbm>> -> memref<16x2048xf32, #tpu.memory_space<hbm>>
    %dma_wait3A_109 = arith.constant 0 : i32
    %dma_wait3A_110 = tpu.memref_slice %arg4[%add3A_102, %dma_wait3A_109] : memref<8192x2048xf32, #tpu.memory_space<hbm>> -> memref<16x2048xf32, #tpu.memory_space<hbm>>
    tpu.wait_dma2 semaphore(%arg12 : memref<!tpu.dma_semaphore, #tpu.memory_space<semaphore_mem>>) src(%arg6 : memref<16x2048xf32, #tpu.memory_space<vmem>>) dst(%dma_wait3A_110 : memref<16x2048xf32, #tpu.memory_space<hbm>>)
    %dma_start3A_111 = arith.constant 6 : i32
    %dma_start3A_112 = arith.constant 0 : i32
    %dma_start3A_113 = tpu.memref_slice %arg5[%dma_start3A_111, %dma_start3A_112] : memref<16x16xi32, #tpu.memory_space<vmem>> -> memref<1x16xi32, #tpu.memory_space<vmem>>
    %dma_start3A_114 = tpu.memref_squeeze %dma_start3A_113 : memref<1x16xi32, #tpu.memory_space<vmem>> -> memref<16xi32, #tpu.memory_space<vmem>>
    %dma_start3A_115 = arith.constant 0 : i32
    %dma_start3A_116 = arith.constant 0 : i32
    %dma_start3A_117 = tpu.memref_slice %arg3[%dma_start3A_115, %dma_start3A_116] : memref<576x2048xf32, #tpu.memory_space<hbm>> -> memref<576x2048xf32, #tpu.memory_space<hbm>>
    tpu.enqueue_indirect_dma source(%dma_start3A_117 : memref<576x2048xf32, #tpu.memory_space<hbm>>) target(%arg6 : memref<16x2048xf32, #tpu.memory_space<vmem>>) offsets(%dma_start3A_114 : memref<16xi32, #tpu.memory_space<vmem>>) semaphore(%arg9 : memref<!tpu.dma_semaphore, #tpu.memory_space<semaphore_mem>>)
    %dma_wait3A_118 = arith.constant 4 : i32
    %dma_wait3A_119 = arith.constant 0 : i32
    %dma_wait3A_120 = tpu.memref_slice %arg5[%dma_wait3A_118, %dma_wait3A_119] : memref<16x16xi32, #tpu.memory_space<vmem>> -> memref<1x16xi32, #tpu.memory_space<vmem>>
    %dma_wait3A_121 = tpu.memref_squeeze %dma_wait3A_120 : memref<1x16xi32, #tpu.memory_space<vmem>> -> memref<16xi32, #tpu.memory_space<vmem>>
    %dma_wait3A_122 = arith.constant 0 : i32
    %dma_wait3A_123 = arith.constant 0 : i32
    %dma_wait3A_124 = tpu.memref_slice %arg3[%dma_wait3A_122, %dma_wait3A_123] : memref<576x2048xf32, #tpu.memory_space<hbm>> -> memref<576x2048xf32, #tpu.memory_space<hbm>>
    tpu.wait_indirect_dma semaphore(%arg10 : memref<!tpu.dma_semaphore, #tpu.memory_space<semaphore_mem>>) src(%dma_wait3A_124 : memref<576x2048xf32, #tpu.memory_space<hbm>>) dst(%arg7 : memref<16x2048xf32, #tpu.memory_space<vmem>>)
    %add3A_125 = arith.constant 64 : i32
    %add3A_126 = arith.addi %mul3A_2, %add3A_125 : i32
    %dma_start3A_127 = arith.constant 0 : i32
    %dma_start3A_128 = tpu.memref_slice %arg4[%add3A_126, %dma_start3A_127] : memref<8192x2048xf32, #tpu.memory_space<hbm>> -> memref<16x2048xf32, #tpu.memory_space<hbm>>
    %dma_start3A_129 = arith.constant 0 : i32
    %dma_start3A_130 = tpu.memref_slice %arg4[%add3A_126, %dma_start3A_129] : memref<8192x2048xf32, #tpu.memory_space<hbm>> -> memref<16x2048xf32, #tpu.memory_space<hbm>>
    tpu.enqueue_dma source(%arg7 : memref<16x2048xf32, #tpu.memory_space<vmem>>) target(%dma_start3A_130 : memref<16x2048xf32, #tpu.memory_space<hbm>>) target_semaphore(%arg13 : memref<!tpu.dma_semaphore, #tpu.memory_space<semaphore_mem>>)
    %dma_wait3A_131 = arith.constant 0 : i32
    %dma_wait3A_132 = tpu.memref_slice %arg4[%add3A_126, %dma_wait3A_131] : memref<8192x2048xf32, #tpu.memory_space<hbm>> -> memref<16x2048xf32, #tpu.memory_space<hbm>>
    %dma_wait3A_133 = arith.constant 0 : i32
    %dma_wait3A_134 = tpu.memref_slice %arg4[%add3A_126, %dma_wait3A_133] : memref<8192x2048xf32, #tpu.memory_space<hbm>> -> memref<16x2048xf32, #tpu.memory_space<hbm>>
    tpu.wait_dma2 semaphore(%arg13 : memref<!tpu.dma_semaphore, #tpu.memory_space<semaphore_mem>>) src(%arg7 : memref<16x2048xf32, #tpu.memory_space<vmem>>) dst(%dma_wait3A_134 : memref<16x2048xf32, #tpu.memory_space<hbm>>)
    %dma_start3A_135 = arith.constant 7 : i32
    %dma_start3A_136 = arith.constant 0 : i32
    %dma_start3A_137 = tpu.memref_slice %arg5[%dma_start3A_135, %dma_start3A_136] : memref<16x16xi32, #tpu.memory_space<vmem>> -> memref<1x16xi32, #tpu.memory_space<vmem>>
    %dma_start3A_138 = tpu.memref_squeeze %dma_start3A_137 : memref<1x16xi32, #tpu.memory_space<vmem>> -> memref<16xi32, #tpu.memory_space<vmem>>
    %dma_start3A_139 = arith.constant 0 : i32
    %dma_start3A_140 = arith.constant 0 : i32
    %dma_start3A_141 = tpu.memref_slice %arg3[%dma_start3A_139, %dma_start3A_140] : memref<576x2048xf32, #tpu.memory_space<hbm>> -> memref<576x2048xf32, #tpu.memory_space<hbm>>
    tpu.enqueue_indirect_dma source(%dma_start3A_141 : memref<576x2048xf32, #tpu.memory_space<hbm>>) target(%arg7 : memref<16x2048xf32, #tpu.memory_space<vmem>>) offsets(%dma_start3A_138 : memref<16xi32, #tpu.memory_space<vmem>>) semaphore(%arg10 : memref<!tpu.dma_semaphore, #tpu.memory_space<semaphore_mem>>)
    %dma_wait3A_142 = arith.constant 5 : i32
    %dma_wait3A_143 = arith.constant 0 : i32
    %dma_wait3A_144 = tpu.memref_slice %arg5[%dma_wait3A_142, %dma_wait3A_143] : memref<16x16xi32, #tpu.memory_space<vmem>> -> memref<1x16xi32, #tpu.memory_space<vmem>>
    %dma_wait3A_145 = tpu.memref_squeeze %dma_wait3A_144 : memref<1x16xi32, #tpu.memory_space<vmem>> -> memref<16xi32, #tpu.memory_space<vmem>>
    %dma_wait3A_146 = arith.constant 0 : i32
    %dma_wait3A_147 = arith.constant 0 : i32
    %dma_wait3A_148 = tpu.memref_slice %arg3[%dma_wait3A_146, %dma_wait3A_147] : memref<576x2048xf32, #tpu.memory_space<hbm>> -> memref<576x2048xf32, #tpu.memory_space<hbm>>
    tpu.wait_indirect_dma semaphore(%arg11 : memref<!tpu.dma_semaphore, #tpu.memory_space<semaphore_mem>>) src(%dma_wait3A_148 : memref<576x2048xf32, #tpu.memory_space<hbm>>) dst(%arg8 : memref<16x2048xf32, #tpu.memory_space<vmem>>)
    %add3A_149 = arith.constant 80 : i32
    %add3A_150 = arith.addi %mul3A_2, %add3A_149 : i32
    %dma_start3A_151 = arith.constant 0 : i32
    %dma_start3A_152 = tpu.memref_slice %arg4[%add3A_150, %dma_start3A_151] : memref<8192x2048xf32, #tpu.memory_space<hbm>> -> memref<16x2048xf32, #tpu.memory_space<hbm>>
    %dma_start3A_153 = arith.constant 0 : i32
    %dma_start3A_154 = tpu.memref_slice %arg4[%add3A_150, %dma_start3A_153] : memref<8192x2048xf32, #tpu.memory_space<hbm>> -> memref<16x2048xf32, #tpu.memory_space<hbm>>
    tpu.enqueue_dma source(%arg8 : memref<16x2048xf32, #tpu.memory_space<vmem>>) target(%dma_start3A_154 : memref<16x2048xf32, #tpu.memory_space<hbm>>) target_semaphore(%arg14 : memref<!tpu.dma_semaphore, #tpu.memory_space<semaphore_mem>>)
    %dma_wait3A_155 = arith.constant 0 : i32
    %dma_wait3A_156 = tpu.memref_slice %arg4[%add3A_150, %dma_wait3A_155] : memref<8192x2048xf32, #tpu.memory_space<hbm>> -> memref<16x2048xf32, #tpu.memory_space<hbm>>
    %dma_wait3A_157 = arith.constant 0 : i32
    %dma_wait3A_158 = tpu.memref_slice %arg4[%add3A_150, %dma_wait3A_157] : memref<8192x2048xf32, #tpu.memory_space<hbm>> -> memref<16x2048xf32, #tpu.memory_space<hbm>>
    tpu.wait_dma2 semaphore(%arg14 : memref<!tpu.dma_semaphore, #tpu.memory_space<semaphore_mem>>) src(%arg8 : memref<16x2048xf32, #tpu.memory_space<vmem>>) dst(%dma_wait3A_158 : memref<16x2048xf32, #tpu.memory_space<hbm>>)
    %dma_start3A_159 = arith.constant 8 : i32
    %dma_start3A_160 = arith.constant 0 : i32
    %dma_start3A_161 = tpu.memref_slice %arg5[%dma_start3A_159, %dma_start3A_160] : memref<16x16xi32, #tpu.memory_space<vmem>> -> memref<1x16xi32, #tpu.memory_space<vmem>>
    %dma_start3A_162 = tpu.memref_squeeze %dma_start3A_161 : memref<1x16xi32, #tpu.memory_space<vmem>> -> memref<16xi32, #tpu.memory_space<vmem>>
    %dma_start3A_163 = arith.constant 0 : i32
    %dma_start3A_164 = arith.constant 0 : i32
    %dma_start3A_165 = tpu.memref_slice %arg3[%dma_start3A_163, %dma_start3A_164] : memref<576x2048xf32, #tpu.memory_space<hbm>> -> memref<576x2048xf32, #tpu.memory_space<hbm>>
    tpu.enqueue_indirect_dma source(%dma_start3A_165 : memref<576x2048xf32, #tpu.memory_space<hbm>>) target(%arg8 : memref<16x2048xf32, #tpu.memory_space<vmem>>) offsets(%dma_start3A_162 : memref<16xi32, #tpu.memory_space<vmem>>) semaphore(%arg11 : memref<!tpu.dma_semaphore, #tpu.memory_space<semaphore_mem>>)
    %dma_wait3A_166 = arith.constant 6 : i32
    %dma_wait3A_167 = arith.constant 0 : i32
    %dma_wait3A_168 = tpu.memref_slice %arg5[%dma_wait3A_166, %dma_wait3A_167] : memref<16x16xi32, #tpu.memory_space<vmem>> -> memref<1x16xi32, #tpu.memory_space<vmem>>
    %dma_wait3A_169 = tpu.memref_squeeze %dma_wait3A_168 : memref<1x16xi32, #tpu.memory_space<vmem>> -> memref<16xi32, #tpu.memory_space<vmem>>
    %dma_wait3A_170 = arith.constant 0 : i32
    %dma_wait3A_171 = arith.constant 0 : i32
    %dma_wait3A_172 = tpu.memref_slice %arg3[%dma_wait3A_170, %dma_wait3A_171] : memref<576x2048xf32, #tpu.memory_space<hbm>> -> memref<576x2048xf32, #tpu.memory_space<hbm>>
    tpu.wait_indirect_dma semaphore(%arg9 : memref<!tpu.dma_semaphore, #tpu.memory_space<semaphore_mem>>) src(%dma_wait3A_172 : memref<576x2048xf32, #tpu.memory_space<hbm>>) dst(%arg6 : memref<16x2048xf32, #tpu.memory_space<vmem>>)
    %add3A_173 = arith.constant 96 : i32
    %add3A_174 = arith.addi %mul3A_2, %add3A_173 : i32
    %dma_start3A_175 = arith.constant 0 : i32
    %dma_start3A_176 = tpu.memref_slice %arg4[%add3A_174, %dma_start3A_175] : memref<8192x2048xf32, #tpu.memory_space<hbm>> -> memref<16x2048xf32, #tpu.memory_space<hbm>>
    %dma_start3A_177 = arith.constant 0 : i32
    %dma_start3A_178 = tpu.memref_slice %arg4[%add3A_174, %dma_start3A_177] : memref<8192x2048xf32, #tpu.memory_space<hbm>> -> memref<16x2048xf32, #tpu.memory_space<hbm>>
    tpu.enqueue_dma source(%arg6 : memref<16x2048xf32, #tpu.memory_space<vmem>>) target(%dma_start3A_178 : memref<16x2048xf32, #tpu.memory_space<hbm>>) target_semaphore(%arg12 : memref<!tpu.dma_semaphore, #tpu.memory_space<semaphore_mem>>)
    %dma_wait3A_179 = arith.constant 0 : i32
    %dma_wait3A_180 = tpu.memref_slice %arg4[%add3A_174, %dma_wait3A_179] : memref<8192x2048xf32, #tpu.memory_space<hbm>> -> memref<16x2048xf32, #tpu.memory_space<hbm>>
    %dma_wait3A_181 = arith.constant 0 : i32
    %dma_wait3A_182 = tpu.memref_slice %arg4[%add3A_174, %dma_wait3A_181] : memref<8192x2048xf32, #tpu.memory_space<hbm>> -> memref<16x2048xf32, #tpu.memory_space<hbm>>
    tpu.wait_dma2 semaphore(%arg12 : memref<!tpu.dma_semaphore, #tpu.memory_space<semaphore_mem>>) src(%arg6 : memref<16x2048xf32, #tpu.memory_space<vmem>>) dst(%dma_wait3A_182 : memref<16x2048xf32, #tpu.memory_space<hbm>>)
    %dma_start3A_183 = arith.constant 9 : i32
    %dma_start3A_184 = arith.constant 0 : i32
    %dma_start3A_185 = tpu.memref_slice %arg5[%dma_start3A_183, %dma_start3A_184] : memref<16x16xi32, #tpu.memory_space<vmem>> -> memref<1x16xi32, #tpu.memory_space<vmem>>
    %dma_start3A_186 = tpu.memref_squeeze %dma_start3A_185 : memref<1x16xi32, #tpu.memory_space<vmem>> -> memref<16xi32, #tpu.memory_space<vmem>>
    %dma_start3A_187 = arith.constant 0 : i32
    %dma_start3A_188 = arith.constant 0 : i32
    %dma_start3A_189 = tpu.memref_slice %arg3[%dma_start3A_187, %dma_start3A_188] : memref<576x2048xf32, #tpu.memory_space<hbm>> -> memref<576x2048xf32, #tpu.memory_space<hbm>>
    tpu.enqueue_indirect_dma source(%dma_start3A_189 : memref<576x2048xf32, #tpu.memory_space<hbm>>) target(%arg6 : memref<16x2048xf32, #tpu.memory_space<vmem>>) offsets(%dma_start3A_186 : memref<16xi32, #tpu.memory_space<vmem>>) semaphore(%arg9 : memref<!tpu.dma_semaphore, #tpu.memory_space<semaphore_mem>>)
    %dma_wait3A_190 = arith.constant 7 : i32
    %dma_wait3A_191 = arith.constant 0 : i32
    %dma_wait3A_192 = tpu.memref_slice %arg5[%dma_wait3A_190, %dma_wait3A_191] : memref<16x16xi32, #tpu.memory_space<vmem>> -> memref<1x16xi32, #tpu.memory_space<vmem>>
    %dma_wait3A_193 = tpu.memref_squeeze %dma_wait3A_192 : memref<1x16xi32, #tpu.memory_space<vmem>> -> memref<16xi32, #tpu.memory_space<vmem>>
    %dma_wait3A_194 = arith.constant 0 : i32
    %dma_wait3A_195 = arith.constant 0 : i32
    %dma_wait3A_196 = tpu.memref_slice %arg3[%dma_wait3A_194, %dma_wait3A_195] : memref<576x2048xf32, #tpu.memory_space<hbm>> -> memref<576x2048xf32, #tpu.memory_space<hbm>>
    tpu.wait_indirect_dma semaphore(%arg10 : memref<!tpu.dma_semaphore, #tpu.memory_space<semaphore_mem>>) src(%dma_wait3A_196 : memref<576x2048xf32, #tpu.memory_space<hbm>>) dst(%arg7 : memref<16x2048xf32, #tpu.memory_space<vmem>>)
    %add3A_197 = arith.constant 112 : i32
    %add3A_198 = arith.addi %mul3A_2, %add3A_197 : i32
    %dma_start3A_199 = arith.constant 0 : i32
    %dma_start3A_200 = tpu.memref_slice %arg4[%add3A_198, %dma_start3A_199] : memref<8192x2048xf32, #tpu.memory_space<hbm>> -> memref<16x2048xf32, #tpu.memory_space<hbm>>
    %dma_start3A_201 = arith.constant 0 : i32
    %dma_start3A_202 = tpu.memref_slice %arg4[%add3A_198, %dma_start3A_201] : memref<8192x2048xf32, #tpu.memory_space<hbm>> -> memref<16x2048xf32, #tpu.memory_space<hbm>>
    tpu.enqueue_dma source(%arg7 : memref<16x2048xf32, #tpu.memory_space<vmem>>) target(%dma_start3A_202 : memref<16x2048xf32, #tpu.memory_space<hbm>>) target_semaphore(%arg13 : memref<!tpu.dma_semaphore, #tpu.memory_space<semaphore_mem>>)
    %dma_wait3A_203 = arith.constant 0 : i32
    %dma_wait3A_204 = tpu.memref_slice %arg4[%add3A_198, %dma_wait3A_203] : memref<8192x2048xf32, #tpu.memory_space<hbm>> -> memref<16x2048xf32, #tpu.memory_space<hbm>>
    %dma_wait3A_205 = arith.constant 0 : i32
    %dma_wait3A_206 = tpu.memref_slice %arg4[%add3A_198, %dma_wait3A_205] : memref<8192x2048xf32, #tpu.memory_space<hbm>> -> memref<16x2048xf32, #tpu.memory_space<hbm>>
    tpu.wait_dma2 semaphore(%arg13 : memref<!tpu.dma_semaphore, #tpu.memory_space<semaphore_mem>>) src(%arg7 : memref<16x2048xf32, #tpu.memory_space<vmem>>) dst(%dma_wait3A_206 : memref<16x2048xf32, #tpu.memory_space<hbm>>)
    %dma_start3A_207 = arith.constant 10 : i32
    %dma_start3A_208 = arith.constant 0 : i32
    %dma_start3A_209 = tpu.memref_slice %arg5[%dma_start3A_207, %dma_start3A_208] : memref<16x16xi32, #tpu.memory_space<vmem>> -> memref<1x16xi32, #tpu.memory_space<vmem>>
    %dma_start3A_210 = tpu.memref_squeeze %dma_start3A_209 : memref<1x16xi32, #tpu.memory_space<vmem>> -> memref<16xi32, #tpu.memory_space<vmem>>
    %dma_start3A_211 = arith.constant 0 : i32
    %dma_start3A_212 = arith.constant 0 : i32
    %dma_start3A_213 = tpu.memref_slice %arg3[%dma_start3A_211, %dma_start3A_212] : memref<576x2048xf32, #tpu.memory_space<hbm>> -> memref<576x2048xf32, #tpu.memory_space<hbm>>
    tpu.enqueue_indirect_dma source(%dma_start3A_213 : memref<576x2048xf32, #tpu.memory_space<hbm>>) target(%arg7 : memref<16x2048xf32, #tpu.memory_space<vmem>>) offsets(%dma_start3A_210 : memref<16xi32, #tpu.memory_space<vmem>>) semaphore(%arg10 : memref<!tpu.dma_semaphore, #tpu.memory_space<semaphore_mem>>)
    %dma_wait3A_214 = arith.constant 8 : i32
    %dma_wait3A_215 = arith.constant 0 : i32
    %dma_wait3A_216 = tpu.memref_slice %arg5[%dma_wait3A_214, %dma_wait3A_215] : memref<16x16xi32, #tpu.memory_space<vmem>> -> memref<1x16xi32, #tpu.memory_space<vmem>>
    %dma_wait3A_217 = tpu.memref_squeeze %dma_wait3A_216 : memref<1x16xi32, #tpu.memory_space<vmem>> -> memref<16xi32, #tpu.memory_space<vmem>>
    %dma_wait3A_218 = arith.constant 0 : i32
    %dma_wait3A_219 = arith.constant 0 : i32
    %dma_wait3A_220 = tpu.memref_slice %arg3[%dma_wait3A_218, %dma_wait3A_219] : memref<576x2048xf32, #tpu.memory_space<hbm>> -> memref<576x2048xf32, #tpu.memory_space<hbm>>
    tpu.wait_indirect_dma semaphore(%arg11 : memref<!tpu.dma_semaphore, #tpu.memory_space<semaphore_mem>>) src(%dma_wait3A_220 : memref<576x2048xf32, #tpu.memory_space<hbm>>) dst(%arg8 : memref<16x2048xf32, #tpu.memory_space<vmem>>)
    %add3A_221 = arith.constant 128 : i32
    %add3A_222 = arith.addi %mul3A_2, %add3A_221 : i32
    %dma_start3A_223 = arith.constant 0 : i32
    %dma_start3A_224 = tpu.memref_slice %arg4[%add3A_222, %dma_start3A_223] : memref<8192x2048xf32, #tpu.memory_space<hbm>> -> memref<16x2048xf32, #tpu.memory_space<hbm>>
    %dma_start3A_225 = arith.constant 0 : i32
    %dma_start3A_226 = tpu.memref_slice %arg4[%add3A_222, %dma_start3A_225] : memref<8192x2048xf32, #tpu.memory_space<hbm>> -> memref<16x2048xf32, #tpu.memory_space<hbm>>
    tpu.enqueue_dma source(%arg8 : memref<16x2048xf32, #tpu.memory_space<vmem>>) target(%dma_start3A_226 : memref<16x2048xf32, #tpu.memory_space<hbm>>) target_semaphore(%arg14 : memref<!tpu.dma_semaphore, #tpu.memory_space<semaphore_mem>>)
    %dma_wait3A_227 = arith.constant 0 : i32
    %dma_wait3A_228 = tpu.memref_slice %arg4[%add3A_222, %dma_wait3A_227] : memref<8192x2048xf32, #tpu.memory_space<hbm>> -> memref<16x2048xf32, #tpu.memory_space<hbm>>
    %dma_wait3A_229 = arith.constant 0 : i32
    %dma_wait3A_230 = tpu.memref_slice %arg4[%add3A_222, %dma_wait3A_229] : memref<8192x2048xf32, #tpu.memory_space<hbm>> -> memref<16x2048xf32, #tpu.memory_space<hbm>>
    tpu.wait_dma2 semaphore(%arg14 : memref<!tpu.dma_semaphore, #tpu.memory_space<semaphore_mem>>) src(%arg8 : memref<16x2048xf32, #tpu.memory_space<vmem>>) dst(%dma_wait3A_230 : memref<16x2048xf32, #tpu.memory_space<hbm>>)
    %dma_start3A_231 = arith.constant 11 : i32
    %dma_start3A_232 = arith.constant 0 : i32
    %dma_start3A_233 = tpu.memref_slice %arg5[%dma_start3A_231, %dma_start3A_232] : memref<16x16xi32, #tpu.memory_space<vmem>> -> memref<1x16xi32, #tpu.memory_space<vmem>>
    %dma_start3A_234 = tpu.memref_squeeze %dma_start3A_233 : memref<1x16xi32, #tpu.memory_space<vmem>> -> memref<16xi32, #tpu.memory_space<vmem>>
    %dma_start3A_235 = arith.constant 0 : i32
    %dma_start3A_236 = arith.constant 0 : i32
    %dma_start3A_237 = tpu.memref_slice %arg3[%dma_start3A_235, %dma_start3A_236] : memref<576x2048xf32, #tpu.memory_space<hbm>> -> memref<576x2048xf32, #tpu.memory_space<hbm>>
    tpu.enqueue_indirect_dma source(%dma_start3A_237 : memref<576x2048xf32, #tpu.memory_space<hbm>>) target(%arg8 : memref<16x2048xf32, #tpu.memory_space<vmem>>) offsets(%dma_start3A_234 : memref<16xi32, #tpu.memory_space<vmem>>) semaphore(%arg11 : memref<!tpu.dma_semaphore, #tpu.memory_space<semaphore_mem>>)
    %dma_wait3A_238 = arith.constant 9 : i32
    %dma_wait3A_239 = arith.constant 0 : i32
    %dma_wait3A_240 = tpu.memref_slice %arg5[%dma_wait3A_238, %dma_wait3A_239] : memref<16x16xi32, #tpu.memory_space<vmem>> -> memref<1x16xi32, #tpu.memory_space<vmem>>
    %dma_wait3A_241 = tpu.memref_squeeze %dma_wait3A_240 : memref<1x16xi32, #tpu.memory_space<vmem>> -> memref<16xi32, #tpu.memory_space<vmem>>
    %dma_wait3A_242 = arith.constant 0 : i32
    %dma_wait3A_243 = arith.constant 0 : i32
    %dma_wait3A_244 = tpu.memref_slice %arg3[%dma_wait3A_242, %dma_wait3A_243] : memref<576x2048xf32, #tpu.memory_space<hbm>> -> memref<576x2048xf32, #tpu.memory_space<hbm>>
    tpu.wait_indirect_dma semaphore(%arg9 : memref<!tpu.dma_semaphore, #tpu.memory_space<semaphore_mem>>) src(%dma_wait3A_244 : memref<576x2048xf32, #tpu.memory_space<hbm>>) dst(%arg6 : memref<16x2048xf32, #tpu.memory_space<vmem>>)
    %add3A_245 = arith.constant 144 : i32
    %add3A_246 = arith.addi %mul3A_2, %add3A_245 : i32
    %dma_start3A_247 = arith.constant 0 : i32
    %dma_start3A_248 = tpu.memref_slice %arg4[%add3A_246, %dma_start3A_247] : memref<8192x2048xf32, #tpu.memory_space<hbm>> -> memref<16x2048xf32, #tpu.memory_space<hbm>>
    %dma_start3A_249 = arith.constant 0 : i32
    %dma_start3A_250 = tpu.memref_slice %arg4[%add3A_246, %dma_start3A_249] : memref<8192x2048xf32, #tpu.memory_space<hbm>> -> memref<16x2048xf32, #tpu.memory_space<hbm>>
    tpu.enqueue_dma source(%arg6 : memref<16x2048xf32, #tpu.memory_space<vmem>>) target(%dma_start3A_250 : memref<16x2048xf32, #tpu.memory_space<hbm>>) target_semaphore(%arg12 : memref<!tpu.dma_semaphore, #tpu.memory_space<semaphore_mem>>)
    %dma_wait3A_251 = arith.constant 0 : i32
    %dma_wait3A_252 = tpu.memref_slice %arg4[%add3A_246, %dma_wait3A_251] : memref<8192x2048xf32, #tpu.memory_space<hbm>> -> memref<16x2048xf32, #tpu.memory_space<hbm>>
    %dma_wait3A_253 = arith.constant 0 : i32
    %dma_wait3A_254 = tpu.memref_slice %arg4[%add3A_246, %dma_wait3A_253] : memref<8192x2048xf32, #tpu.memory_space<hbm>> -> memref<16x2048xf32, #tpu.memory_space<hbm>>
    tpu.wait_dma2 semaphore(%arg12 : memref<!tpu.dma_semaphore, #tpu.memory_space<semaphore_mem>>) src(%arg6 : memref<16x2048xf32, #tpu.memory_space<vmem>>) dst(%dma_wait3A_254 : memref<16x2048xf32, #tpu.memory_space<hbm>>)
    %dma_start3A_255 = arith.constant 12 : i32
    %dma_start3A_256 = arith.constant 0 : i32
    %dma_start3A_257 = tpu.memref_slice %arg5[%dma_start3A_255, %dma_start3A_256] : memref<16x16xi32, #tpu.memory_space<vmem>> -> memref<1x16xi32, #tpu.memory_space<vmem>>
    %dma_start3A_258 = tpu.memref_squeeze %dma_start3A_257 : memref<1x16xi32, #tpu.memory_space<vmem>> -> memref<16xi32, #tpu.memory_space<vmem>>
    %dma_start3A_259 = arith.constant 0 : i32
    %dma_start3A_260 = arith.constant 0 : i32
    %dma_start3A_261 = tpu.memref_slice %arg3[%dma_start3A_259, %dma_start3A_260] : memref<576x2048xf32, #tpu.memory_space<hbm>> -> memref<576x2048xf32, #tpu.memory_space<hbm>>
    tpu.enqueue_indirect_dma source(%dma_start3A_261 : memref<576x2048xf32, #tpu.memory_space<hbm>>) target(%arg6 : memref<16x2048xf32, #tpu.memory_space<vmem>>) offsets(%dma_start3A_258 : memref<16xi32, #tpu.memory_space<vmem>>) semaphore(%arg9 : memref<!tpu.dma_semaphore, #tpu.memory_space<semaphore_mem>>)
    %dma_wait3A_262 = arith.constant 10 : i32
    %dma_wait3A_263 = arith.constant 0 : i32
    %dma_wait3A_264 = tpu.memref_slice %arg5[%dma_wait3A_262, %dma_wait3A_263] : memref<16x16xi32, #tpu.memory_space<vmem>> -> memref<1x16xi32, #tpu.memory_space<vmem>>
    %dma_wait3A_265 = tpu.memref_squeeze %dma_wait3A_264 : memref<1x16xi32, #tpu.memory_space<vmem>> -> memref<16xi32, #tpu.memory_space<vmem>>
    %dma_wait3A_266 = arith.constant 0 : i32
    %dma_wait3A_267 = arith.constant 0 : i32
    %dma_wait3A_268 = tpu.memref_slice %arg3[%dma_wait3A_266, %dma_wait3A_267] : memref<576x2048xf32, #tpu.memory_space<hbm>> -> memref<576x2048xf32, #tpu.memory_space<hbm>>
    tpu.wait_indirect_dma semaphore(%arg10 : memref<!tpu.dma_semaphore, #tpu.memory_space<semaphore_mem>>) src(%dma_wait3A_268 : memref<576x2048xf32, #tpu.memory_space<hbm>>) dst(%arg7 : memref<16x2048xf32, #tpu.memory_space<vmem>>)
    %add3A_269 = arith.constant 160 : i32
    %add3A_270 = arith.addi %mul3A_2, %add3A_269 : i32
    %dma_start3A_271 = arith.constant 0 : i32
    %dma_start3A_272 = tpu.memref_slice %arg4[%add3A_270, %dma_start3A_271] : memref<8192x2048xf32, #tpu.memory_space<hbm>> -> memref<16x2048xf32, #tpu.memory_space<hbm>>
    %dma_start3A_273 = arith.constant 0 : i32
    %dma_start3A_274 = tpu.memref_slice %arg4[%add3A_270, %dma_start3A_273] : memref<8192x2048xf32, #tpu.memory_space<hbm>> -> memref<16x2048xf32, #tpu.memory_space<hbm>>
    tpu.enqueue_dma source(%arg7 : memref<16x2048xf32, #tpu.memory_space<vmem>>) target(%dma_start3A_274 : memref<16x2048xf32, #tpu.memory_space<hbm>>) target_semaphore(%arg13 : memref<!tpu.dma_semaphore, #tpu.memory_space<semaphore_mem>>)
    %dma_wait3A_275 = arith.constant 0 : i32
    %dma_wait3A_276 = tpu.memref_slice %arg4[%add3A_270, %dma_wait3A_275] : memref<8192x2048xf32, #tpu.memory_space<hbm>> -> memref<16x2048xf32, #tpu.memory_space<hbm>>
    %dma_wait3A_277 = arith.constant 0 : i32
    %dma_wait3A_278 = tpu.memref_slice %arg4[%add3A_270, %dma_wait3A_277] : memref<8192x2048xf32, #tpu.memory_space<hbm>> -> memref<16x2048xf32, #tpu.memory_space<hbm>>
    tpu.wait_dma2 semaphore(%arg13 : memref<!tpu.dma_semaphore, #tpu.memory_space<semaphore_mem>>) src(%arg7 : memref<16x2048xf32, #tpu.memory_space<vmem>>) dst(%dma_wait3A_278 : memref<16x2048xf32, #tpu.memory_space<hbm>>)
    %dma_start3A_279 = arith.constant 13 : i32
    %dma_start3A_280 = arith.constant 0 : i32
    %dma_start3A_281 = tpu.memref_slice %arg5[%dma_start3A_279, %dma_start3A_280] : memref<16x16xi32, #tpu.memory_space<vmem>> -> memref<1x16xi32, #tpu.memory_space<vmem>>
    %dma_start3A_282 = tpu.memref_squeeze %dma_start3A_281 : memref<1x16xi32, #tpu.memory_space<vmem>> -> memref<16xi32, #tpu.memory_space<vmem>>
    %dma_start3A_283 = arith.constant 0 : i32
    %dma_start3A_284 = arith.constant 0 : i32
    %dma_start3A_285 = tpu.memref_slice %arg3[%dma_start3A_283, %dma_start3A_284] : memref<576x2048xf32, #tpu.memory_space<hbm>> -> memref<576x2048xf32, #tpu.memory_space<hbm>>
    tpu.enqueue_indirect_dma source(%dma_start3A_285 : memref<576x2048xf32, #tpu.memory_space<hbm>>) target(%arg7 : memref<16x2048xf32, #tpu.memory_space<vmem>>) offsets(%dma_start3A_282 : memref<16xi32, #tpu.memory_space<vmem>>) semaphore(%arg10 : memref<!tpu.dma_semaphore, #tpu.memory_space<semaphore_mem>>)
    %dma_wait3A_286 = arith.constant 11 : i32
    %dma_wait3A_287 = arith.constant 0 : i32
    %dma_wait3A_288 = tpu.memref_slice %arg5[%dma_wait3A_286, %dma_wait3A_287] : memref<16x16xi32, #tpu.memory_space<vmem>> -> memref<1x16xi32, #tpu.memory_space<vmem>>
    %dma_wait3A_289 = tpu.memref_squeeze %dma_wait3A_288 : memref<1x16xi32, #tpu.memory_space<vmem>> -> memref<16xi32, #tpu.memory_space<vmem>>
    %dma_wait3A_290 = arith.constant 0 : i32
    %dma_wait3A_291 = arith.constant 0 : i32
    %dma_wait3A_292 = tpu.memref_slice %arg3[%dma_wait3A_290, %dma_wait3A_291] : memref<576x2048xf32, #tpu.memory_space<hbm>> -> memref<576x2048xf32, #tpu.memory_space<hbm>>
    tpu.wait_indirect_dma semaphore(%arg11 : memref<!tpu.dma_semaphore, #tpu.memory_space<semaphore_mem>>) src(%dma_wait3A_292 : memref<576x2048xf32, #tpu.memory_space<hbm>>) dst(%arg8 : memref<16x2048xf32, #tpu.memory_space<vmem>>)
    %add3A_293 = arith.constant 176 : i32
    %add3A_294 = arith.addi %mul3A_2, %add3A_293 : i32
    %dma_start3A_295 = arith.constant 0 : i32
    %dma_start3A_296 = tpu.memref_slice %arg4[%add3A_294, %dma_start3A_295] : memref<8192x2048xf32, #tpu.memory_space<hbm>> -> memref<16x2048xf32, #tpu.memory_space<hbm>>
    %dma_start3A_297 = arith.constant 0 : i32
    %dma_start3A_298 = tpu.memref_slice %arg4[%add3A_294, %dma_start3A_297] : memref<8192x2048xf32, #tpu.memory_space<hbm>> -> memref<16x2048xf32, #tpu.memory_space<hbm>>
    tpu.enqueue_dma source(%arg8 : memref<16x2048xf32, #tpu.memory_space<vmem>>) target(%dma_start3A_298 : memref<16x2048xf32, #tpu.memory_space<hbm>>) target_semaphore(%arg14 : memref<!tpu.dma_semaphore, #tpu.memory_space<semaphore_mem>>)
    %dma_wait3A_299 = arith.constant 0 : i32
    %dma_wait3A_300 = tpu.memref_slice %arg4[%add3A_294, %dma_wait3A_299] : memref<8192x2048xf32, #tpu.memory_space<hbm>> -> memref<16x2048xf32, #tpu.memory_space<hbm>>
    %dma_wait3A_301 = arith.constant 0 : i32
    %dma_wait3A_302 = tpu.memref_slice %arg4[%add3A_294, %dma_wait3A_301] : memref<8192x2048xf32, #tpu.memory_space<hbm>> -> memref<16x2048xf32, #tpu.memory_space<hbm>>
    tpu.wait_dma2 semaphore(%arg14 : memref<!tpu.dma_semaphore, #tpu.memory_space<semaphore_mem>>) src(%arg8 : memref<16x2048xf32, #tpu.memory_space<vmem>>) dst(%dma_wait3A_302 : memref<16x2048xf32, #tpu.memory_space<hbm>>)
    %dma_start3A_303 = arith.constant 14 : i32
    %dma_start3A_304 = arith.constant 0 : i32
    %dma_start3A_305 = tpu.memref_slice %arg5[%dma_start3A_303, %dma_start3A_304] : memref<16x16xi32, #tpu.memory_space<vmem>> -> memref<1x16xi32, #tpu.memory_space<vmem>>
    %dma_start3A_306 = tpu.memref_squeeze %dma_start3A_305 : memref<1x16xi32, #tpu.memory_space<vmem>> -> memref<16xi32, #tpu.memory_space<vmem>>
    %dma_start3A_307 = arith.constant 0 : i32
    %dma_start3A_308 = arith.constant 0 : i32
    %dma_start3A_309 = tpu.memref_slice %arg3[%dma_start3A_307, %dma_start3A_308] : memref<576x2048xf32, #tpu.memory_space<hbm>> -> memref<576x2048xf32, #tpu.memory_space<hbm>>
    tpu.enqueue_indirect_dma source(%dma_start3A_309 : memref<576x2048xf32, #tpu.memory_space<hbm>>) target(%arg8 : memref<16x2048xf32, #tpu.memory_space<vmem>>) offsets(%dma_start3A_306 : memref<16xi32, #tpu.memory_space<vmem>>) semaphore(%arg11 : memref<!tpu.dma_semaphore, #tpu.memory_space<semaphore_mem>>)
    %dma_wait3A_310 = arith.constant 12 : i32
    %dma_wait3A_311 = arith.constant 0 : i32
    %dma_wait3A_312 = tpu.memref_slice %arg5[%dma_wait3A_310, %dma_wait3A_311] : memref<16x16xi32, #tpu.memory_space<vmem>> -> memref<1x16xi32, #tpu.memory_space<vmem>>
    %dma_wait3A_313 = tpu.memref_squeeze %dma_wait3A_312 : memref<1x16xi32, #tpu.memory_space<vmem>> -> memref<16xi32, #tpu.memory_space<vmem>>
    %dma_wait3A_314 = arith.constant 0 : i32
    %dma_wait3A_315 = arith.constant 0 : i32
    %dma_wait3A_316 = tpu.memref_slice %arg3[%dma_wait3A_314, %dma_wait3A_315] : memref<576x2048xf32, #tpu.memory_space<hbm>> -> memref<576x2048xf32, #tpu.memory_space<hbm>>
    tpu.wait_indirect_dma semaphore(%arg9 : memref<!tpu.dma_semaphore, #tpu.memory_space<semaphore_mem>>) src(%dma_wait3A_316 : memref<576x2048xf32, #tpu.memory_space<hbm>>) dst(%arg6 : memref<16x2048xf32, #tpu.memory_space<vmem>>)
    %add3A_317 = arith.constant 192 : i32
    %add3A_318 = arith.addi %mul3A_2, %add3A_317 : i32
    %dma_start3A_319 = arith.constant 0 : i32
    %dma_start3A_320 = tpu.memref_slice %arg4[%add3A_318, %dma_start3A_319] : memref<8192x2048xf32, #tpu.memory_space<hbm>> -> memref<16x2048xf32, #tpu.memory_space<hbm>>
    %dma_start3A_321 = arith.constant 0 : i32
    %dma_start3A_322 = tpu.memref_slice %arg4[%add3A_318, %dma_start3A_321] : memref<8192x2048xf32, #tpu.memory_space<hbm>> -> memref<16x2048xf32, #tpu.memory_space<hbm>>
    tpu.enqueue_dma source(%arg6 : memref<16x2048xf32, #tpu.memory_space<vmem>>) target(%dma_start3A_322 : memref<16x2048xf32, #tpu.memory_space<hbm>>) target_semaphore(%arg12 : memref<!tpu.dma_semaphore, #tpu.memory_space<semaphore_mem>>)
    %dma_wait3A_323 = arith.constant 0 : i32
    %dma_wait3A_324 = tpu.memref_slice %arg4[%add3A_318, %dma_wait3A_323] : memref<8192x2048xf32, #tpu.memory_space<hbm>> -> memref<16x2048xf32, #tpu.memory_space<hbm>>
    %dma_wait3A_325 = arith.constant 0 : i32
    %dma_wait3A_326 = tpu.memref_slice %arg4[%add3A_318, %dma_wait3A_325] : memref<8192x2048xf32, #tpu.memory_space<hbm>> -> memref<16x2048xf32, #tpu.memory_space<hbm>>
    tpu.wait_dma2 semaphore(%arg12 : memref<!tpu.dma_semaphore, #tpu.memory_space<semaphore_mem>>) src(%arg6 : memref<16x2048xf32, #tpu.memory_space<vmem>>) dst(%dma_wait3A_326 : memref<16x2048xf32, #tpu.memory_space<hbm>>)
    %dma_start3A_327 = arith.constant 15 : i32
    %dma_start3A_328 = arith.constant 0 : i32
    %dma_start3A_329 = tpu.memref_slice %arg5[%dma_start3A_327, %dma_start3A_328] : memref<16x16xi32, #tpu.memory_space<vmem>> -> memref<1x16xi32, #tpu.memory_space<vmem>>
    %dma_start3A_330 = tpu.memref_squeeze %dma_start3A_329 : memref<1x16xi32, #tpu.memory_space<vmem>> -> memref<16xi32, #tpu.memory_space<vmem>>
    %dma_start3A_331 = arith.constant 0 : i32
    %dma_start3A_332 = arith.constant 0 : i32
    %dma_start3A_333 = tpu.memref_slice %arg3[%dma_start3A_331, %dma_start3A_332] : memref<576x2048xf32, #tpu.memory_space<hbm>> -> memref<576x2048xf32, #tpu.memory_space<hbm>>
    tpu.enqueue_indirect_dma source(%dma_start3A_333 : memref<576x2048xf32, #tpu.memory_space<hbm>>) target(%arg6 : memref<16x2048xf32, #tpu.memory_space<vmem>>) offsets(%dma_start3A_330 : memref<16xi32, #tpu.memory_space<vmem>>) semaphore(%arg9 : memref<!tpu.dma_semaphore, #tpu.memory_space<semaphore_mem>>)
    %dma_wait3A_334 = arith.constant 13 : i32
    %dma_wait3A_335 = arith.constant 0 : i32
    %dma_wait3A_336 = tpu.memref_slice %arg5[%dma_wait3A_334, %dma_wait3A_335] : memref<16x16xi32, #tpu.memory_space<vmem>> -> memref<1x16xi32, #tpu.memory_space<vmem>>
    %dma_wait3A_337 = tpu.memref_squeeze %dma_wait3A_336 : memref<1x16xi32, #tpu.memory_space<vmem>> -> memref<16xi32, #tpu.memory_space<vmem>>
    %dma_wait3A_338 = arith.constant 0 : i32
    %dma_wait3A_339 = arith.constant 0 : i32
    %dma_wait3A_340 = tpu.memref_slice %arg3[%dma_wait3A_338, %dma_wait3A_339] : memref<576x2048xf32, #tpu.memory_space<hbm>> -> memref<576x2048xf32, #tpu.memory_space<hbm>>
    tpu.wait_indirect_dma semaphore(%arg10 : memref<!tpu.dma_semaphore, #tpu.memory_space<semaphore_mem>>) src(%dma_wait3A_340 : memref<576x2048xf32, #tpu.memory_space<hbm>>) dst(%arg7 : memref<16x2048xf32, #tpu.memory_space<vmem>>)
    %add3A_341 = arith.constant 208 : i32
    %add3A_342 = arith.addi %mul3A_2, %add3A_341 : i32
    %dma_start3A_343 = arith.constant 0 : i32
    %dma_start3A_344 = tpu.memref_slice %arg4[%add3A_342, %dma_start3A_343] : memref<8192x2048xf32, #tpu.memory_space<hbm>> -> memref<16x2048xf32, #tpu.memory_space<hbm>>
    %dma_start3A_345 = arith.constant 0 : i32
    %dma_start3A_346 = tpu.memref_slice %arg4[%add3A_342, %dma_start3A_345] : memref<8192x2048xf32, #tpu.memory_space<hbm>> -> memref<16x2048xf32, #tpu.memory_space<hbm>>
    tpu.enqueue_dma source(%arg7 : memref<16x2048xf32, #tpu.memory_space<vmem>>) target(%dma_start3A_346 : memref<16x2048xf32, #tpu.memory_space<hbm>>) target_semaphore(%arg13 : memref<!tpu.dma_semaphore, #tpu.memory_space<semaphore_mem>>)
    %dma_wait3A_347 = arith.constant 14 : i32
    %dma_wait3A_348 = arith.constant 0 : i32
    %dma_wait3A_349 = tpu.memref_slice %arg5[%dma_wait3A_347, %dma_wait3A_348] : memref<16x16xi32, #tpu.memory_space<vmem>> -> memref<1x16xi32, #tpu.memory_space<vmem>>
    %dma_wait3A_350 = tpu.memref_squeeze %dma_wait3A_349 : memref<1x16xi32, #tpu.memory_space<vmem>> -> memref<16xi32, #tpu.memory_space<vmem>>
    %dma_wait3A_351 = arith.constant 0 : i32
    %dma_wait3A_352 = arith.constant 0 : i32
    %dma_wait3A_353 = tpu.memref_slice %arg3[%dma_wait3A_351, %dma_wait3A_352] : memref<576x2048xf32, #tpu.memory_space<hbm>> -> memref<576x2048xf32, #tpu.memory_space<hbm>>
    tpu.wait_indirect_dma semaphore(%arg11 : memref<!tpu.dma_semaphore, #tpu.memory_space<semaphore_mem>>) src(%dma_wait3A_353 : memref<576x2048xf32, #tpu.memory_space<hbm>>) dst(%arg8 : memref<16x2048xf32, #tpu.memory_space<vmem>>)
    %add3A_354 = arith.constant 224 : i32
    %add3A_355 = arith.addi %mul3A_2, %add3A_354 : i32
    %dma_start3A_356 = arith.constant 0 : i32
    %dma_start3A_357 = tpu.memref_slice %arg4[%add3A_355, %dma_start3A_356] : memref<8192x2048xf32, #tpu.memory_space<hbm>> -> memref<16x2048xf32, #tpu.memory_space<hbm>>
    %dma_start3A_358 = arith.constant 0 : i32
    %dma_start3A_359 = tpu.memref_slice %arg4[%add3A_355, %dma_start3A_358] : memref<8192x2048xf32, #tpu.memory_space<hbm>> -> memref<16x2048xf32, #tpu.memory_space<hbm>>
    tpu.enqueue_dma source(%arg8 : memref<16x2048xf32, #tpu.memory_space<vmem>>) target(%dma_start3A_359 : memref<16x2048xf32, #tpu.memory_space<hbm>>) target_semaphore(%arg14 : memref<!tpu.dma_semaphore, #tpu.memory_space<semaphore_mem>>)
    %dma_wait3A_360 = arith.constant 15 : i32
    %dma_wait3A_361 = arith.constant 0 : i32
    %dma_wait3A_362 = tpu.memref_slice %arg5[%dma_wait3A_360, %dma_wait3A_361] : memref<16x16xi32, #tpu.memory_space<vmem>> -> memref<1x16xi32, #tpu.memory_space<vmem>>
    %dma_wait3A_363 = tpu.memref_squeeze %dma_wait3A_362 : memref<1x16xi32, #tpu.memory_space<vmem>> -> memref<16xi32, #tpu.memory_space<vmem>>
    %dma_wait3A_364 = arith.constant 0 : i32
    %dma_wait3A_365 = arith.constant 0 : i32
    %dma_wait3A_366 = tpu.memref_slice %arg3[%dma_wait3A_364, %dma_wait3A_365] : memref<576x2048xf32, #tpu.memory_space<hbm>> -> memref<576x2048xf32, #tpu.memory_space<hbm>>
    tpu.wait_indirect_dma semaphore(%arg9 : memref<!tpu.dma_semaphore, #tpu.memory_space<semaphore_mem>>) src(%dma_wait3A_366 : memref<576x2048xf32, #tpu.memory_space<hbm>>) dst(%arg6 : memref<16x2048xf32, #tpu.memory_space<vmem>>)
    %add3A_367 = arith.constant 240 : i32
    %add3A_368 = arith.addi %mul3A_2, %add3A_367 : i32
    %dma_start3A_369 = arith.constant 0 : i32
    %dma_start3A_370 = tpu.memref_slice %arg4[%add3A_368, %dma_start3A_369] : memref<8192x2048xf32, #tpu.memory_space<hbm>> -> memref<16x2048xf32, #tpu.memory_space<hbm>>
    %dma_start3A_371 = arith.constant 0 : i32
    %dma_start3A_372 = tpu.memref_slice %arg4[%add3A_368, %dma_start3A_371] : memref<8192x2048xf32, #tpu.memory_space<hbm>> -> memref<16x2048xf32, #tpu.memory_space<hbm>>
    tpu.enqueue_dma source(%arg6 : memref<16x2048xf32, #tpu.memory_space<vmem>>) target(%dma_start3A_372 : memref<16x2048xf32, #tpu.memory_space<hbm>>) target_semaphore(%arg12 : memref<!tpu.dma_semaphore, #tpu.memory_space<semaphore_mem>>)
    %dma_wait3A_373 = arith.constant 0 : i32
    %dma_wait3A_374 = tpu.memref_slice %arg4[%add3A_342, %dma_wait3A_373] : memref<8192x2048xf32, #tpu.memory_space<hbm>> -> memref<16x2048xf32, #tpu.memory_space<hbm>>
    %dma_wait3A_375 = arith.constant 0 : i32
    %dma_wait3A_376 = tpu.memref_slice %arg4[%add3A_342, %dma_wait3A_375] : memref<8192x2048xf32, #tpu.memory_space<hbm>> -> memref<16x2048xf32, #tpu.memory_space<hbm>>
    tpu.wait_dma2 semaphore(%arg13 : memref<!tpu.dma_semaphore, #tpu.memory_space<semaphore_mem>>) src(%arg7 : memref<16x2048xf32, #tpu.memory_space<vmem>>) dst(%dma_wait3A_376 : memref<16x2048xf32, #tpu.memory_space<hbm>>)
    %dma_wait3A_377 = arith.constant 0 : i32
    %dma_wait3A_378 = tpu.memref_slice %arg4[%add3A_355, %dma_wait3A_377] : memref<8192x2048xf32, #tpu.memory_space<hbm>> -> memref<16x2048xf32, #tpu.memory_space<hbm>>
    %dma_wait3A_379 = arith.constant 0 : i32
    %dma_wait3A_380 = tpu.memref_slice %arg4[%add3A_355, %dma_wait3A_379] : memref<8192x2048xf32, #tpu.memory_space<hbm>> -> memref<16x2048xf32, #tpu.memory_space<hbm>>
    tpu.wait_dma2 semaphore(%arg14 : memref<!tpu.dma_semaphore, #tpu.memory_space<semaphore_mem>>) src(%arg8 : memref<16x2048xf32, #tpu.memory_space<vmem>>) dst(%dma_wait3A_380 : memref<16x2048xf32, #tpu.memory_space<hbm>>)
    %dma_wait3A_381 = arith.constant 0 : i32
    %dma_wait3A_382 = tpu.memref_slice %arg4[%add3A_368, %dma_wait3A_381] : memref<8192x2048xf32, #tpu.memory_space<hbm>> -> memref<16x2048xf32, #tpu.memory_space<hbm>>
    %dma_wait3A_383 = arith.constant 0 : i32
    %dma_wait3A_384 = tpu.memref_slice %arg4[%add3A_368, %dma_wait3A_383] : memref<8192x2048xf32, #tpu.memory_space<hbm>> -> memref<16x2048xf32, #tpu.memory_space<hbm>>
    tpu.wait_dma2 semaphore(%arg12 : memref<!tpu.dma_semaphore, #tpu.memory_space<semaphore_mem>>) src(%arg6 : memref<16x2048xf32, #tpu.memory_space<vmem>>) dst(%dma_wait3A_384 : memref<16x2048xf32, #tpu.memory_space<hbm>>)
    return
  }
}

module attributes {stable_mosaic.version = 14 : i64} {
  func.func @_table_body(%arg0: i32, %arg1: memref<8x2048xf32, #tpu.memory_space<vmem>>, %arg2: memref<8x2048xf32, #tpu.memory_space<vmem>>, %arg3: memref<5x2048xf32, #tpu.memory_space<vmem>>, %arg4: memref<72x2048xf32, #tpu.memory_space<vmem>>) attributes {dimension_semantics = [#tpu.dimension_semantics<arbitrary>], iteration_bounds = array<i64: 8>, scalar_prefetch = 0 : i64, scratch_operands = 0 : i64, tpu.core_type = #tpu.core_type<tc>, window_params = [{pipeline_mode = #tpu.pipeline_mode<synchronous>, transform_indices = @transform_0, window_bounds = array<i64: 8, 2048>}, {pipeline_mode = #tpu.pipeline_mode<synchronous>, transform_indices = @transform_1, window_bounds = array<i64: 8, 2048>}, {pipeline_mode = #tpu.pipeline_mode<synchronous>, transform_indices = @transform_2, window_bounds = array<i64: 5, 2048>}, {transform_indices = @transform_3, window_bounds = array<i64: 72, 2048>}]} {
    %get3A = arith.constant 0 : index
    %get3A_0 = arith.constant 0 : index
    %get3A_1 = vector.load %arg1[%get3A, %get3A_0] : memref<8x2048xf32, #tpu.memory_space<vmem>>, vector<1x2048xf32>
    %broadcast_in_dim3A = vector.shape_cast %get3A_1 : vector<1x2048xf32> to vector<1x2048xf32>
    %broadcast_in_dim3A_2 = vector.broadcast %broadcast_in_dim3A : vector<1x2048xf32> to vector<8x2048xf32>
    %get3A_3 = arith.constant 1 : index
    %get3A_4 = arith.constant 0 : index
    %get3A_5 = vector.load %arg1[%get3A_3, %get3A_4] : memref<8x2048xf32, #tpu.memory_space<vmem>>, vector<1x2048xf32>
    %broadcast_in_dim3A_6 = vector.shape_cast %get3A_5 : vector<1x2048xf32> to vector<1x2048xf32>
    %broadcast_in_dim3A_7 = vector.broadcast %broadcast_in_dim3A_6 : vector<1x2048xf32> to vector<8x2048xf32>
    %get3A_8 = arith.constant 2 : index
    %get3A_9 = arith.constant 0 : index
    %get3A_10 = vector.load %arg1[%get3A_8, %get3A_9] : memref<8x2048xf32, #tpu.memory_space<vmem>>, vector<1x2048xf32>
    %broadcast_in_dim3A_11 = vector.shape_cast %get3A_10 : vector<1x2048xf32> to vector<1x2048xf32>
    %broadcast_in_dim3A_12 = vector.broadcast %broadcast_in_dim3A_11 : vector<1x2048xf32> to vector<8x2048xf32>
    %get3A_13 = arith.constant 3 : index
    %get3A_14 = arith.constant 0 : index
    %get3A_15 = vector.load %arg1[%get3A_13, %get3A_14] : memref<8x2048xf32, #tpu.memory_space<vmem>>, vector<1x2048xf32>
    %broadcast_in_dim3A_16 = vector.shape_cast %get3A_15 : vector<1x2048xf32> to vector<1x2048xf32>
    %broadcast_in_dim3A_17 = vector.broadcast %broadcast_in_dim3A_16 : vector<1x2048xf32> to vector<8x2048xf32>
    %get3A_18 = arith.constant 4 : index
    %get3A_19 = arith.constant 0 : index
    %get3A_20 = vector.load %arg1[%get3A_18, %get3A_19] : memref<8x2048xf32, #tpu.memory_space<vmem>>, vector<1x2048xf32>
    %broadcast_in_dim3A_21 = vector.shape_cast %get3A_20 : vector<1x2048xf32> to vector<1x2048xf32>
    %broadcast_in_dim3A_22 = vector.broadcast %broadcast_in_dim3A_21 : vector<1x2048xf32> to vector<8x2048xf32>
    %get3A_23 = arith.constant 5 : index
    %get3A_24 = arith.constant 0 : index
    %get3A_25 = vector.load %arg1[%get3A_23, %get3A_24] : memref<8x2048xf32, #tpu.memory_space<vmem>>, vector<1x2048xf32>
    %broadcast_in_dim3A_26 = vector.shape_cast %get3A_25 : vector<1x2048xf32> to vector<1x2048xf32>
    %broadcast_in_dim3A_27 = vector.broadcast %broadcast_in_dim3A_26 : vector<1x2048xf32> to vector<8x2048xf32>
    %get3A_28 = arith.constant 6 : index
    %get3A_29 = arith.constant 0 : index
    %get3A_30 = vector.load %arg1[%get3A_28, %get3A_29] : memref<8x2048xf32, #tpu.memory_space<vmem>>, vector<1x2048xf32>
    %broadcast_in_dim3A_31 = vector.shape_cast %get3A_30 : vector<1x2048xf32> to vector<1x2048xf32>
    %broadcast_in_dim3A_32 = vector.broadcast %broadcast_in_dim3A_31 : vector<1x2048xf32> to vector<8x2048xf32>
    %get3A_33 = arith.constant 7 : index
    %get3A_34 = arith.constant 0 : index
    %get3A_35 = vector.load %arg1[%get3A_33, %get3A_34] : memref<8x2048xf32, #tpu.memory_space<vmem>>, vector<1x2048xf32>
    %broadcast_in_dim3A_36 = vector.shape_cast %get3A_35 : vector<1x2048xf32> to vector<1x2048xf32>
    %broadcast_in_dim3A_37 = vector.broadcast %broadcast_in_dim3A_36 : vector<1x2048xf32> to vector<8x2048xf32>
    %concatenate3A = tpu.concatenate %broadcast_in_dim3A_2, %broadcast_in_dim3A_7, %broadcast_in_dim3A_12, %broadcast_in_dim3A_17, %broadcast_in_dim3A_22, %broadcast_in_dim3A_27, %broadcast_in_dim3A_32, %broadcast_in_dim3A_37 in 0 : vector<8x2048xf32>, vector<8x2048xf32>, vector<8x2048xf32>, vector<8x2048xf32>, vector<8x2048xf32>, vector<8x2048xf32>, vector<8x2048xf32>, vector<8x2048xf32> -> vector<64x2048xf32>
    %get3A_38 = arith.constant 0 : index
    %get3A_39 = arith.constant 0 : index
    %get3A_40 = vector.load %arg2[%get3A_38, %get3A_39] : memref<8x2048xf32, #tpu.memory_space<vmem>>, vector<8x2048xf32>
    %concatenate3A_41 = tpu.concatenate %get3A_40, %get3A_40, %get3A_40, %get3A_40, %get3A_40, %get3A_40, %get3A_40, %get3A_40 in 0 : vector<8x2048xf32>, vector<8x2048xf32>, vector<8x2048xf32>, vector<8x2048xf32>, vector<8x2048xf32>, vector<8x2048xf32>, vector<8x2048xf32>, vector<8x2048xf32> -> vector<64x2048xf32>
    %add3A = arith.addf %concatenate3A, %concatenate3A_41 : vector<64x2048xf32>
    %swap3A = arith.constant 0 : index
    %swap3A_42 = arith.constant 0 : index
    %swap3A_43 = vector.load %arg4[%swap3A, %swap3A_42] : memref<72x2048xf32, #tpu.memory_space<vmem>>, vector<64x2048xf32>
    tpu.vector_store %arg4[%swap3A, %swap3A_42], %add3A {strides = array<i32>} : memref<72x2048xf32, #tpu.memory_space<vmem>>, vector<64x2048xf32>,
    %get3A_44 = arith.constant 0 : index
    %get3A_45 = arith.constant 0 : index
    %get3A_46 = vector.load %arg3[%get3A_44, %get3A_45] : memref<5x2048xf32, #tpu.memory_space<vmem>>, vector<5x2048xf32>
    %swap3A_47 = arith.constant 64 : index
    %swap3A_48 = arith.constant 0 : index
    %swap3A_49 = vector.load %arg4[%swap3A_47, %swap3A_48] : memref<72x2048xf32, #tpu.memory_space<vmem>>, vector<5x2048xf32>
    tpu.vector_store %arg4[%swap3A_47, %swap3A_48], %get3A_46 {strides = array<i32>} : memref<72x2048xf32, #tpu.memory_space<vmem>>, vector<5x2048xf32>,
    return
  }
  func.func @transform_0(%arg0: i32) -> (i32, i32) {
    %c0_i32 = arith.constant 0 : i32
    %c0_i32_0 = arith.constant 0 : i32
    %c0_i32_1 = arith.constant 0 : i32
    return %c0_i32, %c0_i32_0 : i32, i32
  }
  func.func @transform_1(%arg0: i32) -> (i32, i32) {
    %c0_i32 = arith.constant 0 : i32
    %c0_i32_0 = arith.constant 0 : i32
    %c0_i32_1 = arith.constant 0 : i32
    return %c0_i32, %c0_i32_0 : i32, i32
  }
  func.func @transform_2(%arg0: i32) -> (i32, i32) {
    %c0_i32 = arith.constant 0 : i32
    %c0_i32_0 = arith.constant 0 : i32
    %c0_i32_1 = arith.constant 0 : i32
    return %c0_i32, %c0_i32_0 : i32, i32
  }
  func.func @transform_3(%arg0: i32) -> (i32, i32) {
    %c0_i32 = arith.constant 0 : i32
    %c0_i32_0 = arith.constant 0 : i32
    return %arg0, %c0_i32 : i32, i32
  }
}

</mosaic_0001>

<sc_bundles>
// kernel: kernel.4.cloned.1.call-start
scs
__scs_entry_jumppad:
0x0: {  	(pc) =	sbr.rel $0x88, $3  }
0x1: {  	(tag) =	ssettag $0x0;
	lr =	simm.s32 $0x1  }
0x2: {  	[smem:$0x3F9D] =	sst lr;
	_ =	strace $0xD0000000  }
0x3: {  	_ = 	snop  }
0x4: {  	_ = 	snop  }
0x5: {  	_ = 	snop  }
0x6: {  	_ = 	snop  }
0x7: {  	_ = 	snop  }
__scs_overlays_trampoline_lowered:
0x8: {  	[smem:$0x3FAC] =	sst s0  }
0x9: {  	[smem:$0x3FAD] =	sst s1  }
0xa: {  	[smem:$0x3FAE] =	sst s2  }
0xb: {  	[smem:$0x3FAF] =	sst s3  }
0xc: {  	[smem:$0x3FB0] =	sst s4  }
0xd: {  	[smem:$0x3FB1] =	sst s5  }
0xe: {  	[smem:$0x3FB2] =	sst s6  }
0xf: {  	[smem:$0x3FB3] =	sst s7  }
0x10: {  	[smem:$0x3FB4] =	sst s8  }
0x11: {  	[smem:$0x3FB5] =	sst s9;
	s0 =	simm.s32 @!p0 $0x0  }
0x12: {  	s1 =	sld [smem:$0x3F9B];
	s0 =	simm.s32 @p0 $0x1  }
0x13: {  	[smem:$0x3FB6] =	sst s0;
	s0 =	simm.s32 @!p1 $0x0  }
0x14: {  	s2 =	sld [smem:$0x3F9A];
	s0 =	simm.s32 @p1 $0x1  }
0x15: {  	[smem:$0x3FB7] =	sst s0;
	s0 =	simm.s32 @!p2 $0x0  }
0x16: {  	s3 =	sld [smem:$0x3FDB];
	s0 =	simm.s32 @p2 $0x1  }
0x17: {  	s4 =	simm.s32 $0x1BF5;
	[smem:$0x3FB9] =	sst s0  }
0x18: {  	s0 =	sld [smem:$0x3F9C];
	_ =	swait.ge [sflag:s4], $0x0  }
0x19: {  	s7 =	sld [smem:$0x3F9D]  }
0x1a: {  	s8 =	sadd.s32 $0xFFFFE003, lr  }
0x1b: {  	s9 =	sadd.s32 $0xFFFFFEF7, lr;
	s5 =	simm.s32 $0xFFFFFFFF;
	p2 =	slt.u32 s8, $0xFFFFF086  }
0x1c: {  	p1 =	slt.u32 s9, $0xF7A;
	s5 =	simm.s32 @!p2 $0x0  }
0x1d: {  	s5 =	simm.s32 @p1 $0x1;
	p0 =	seq.s32 s7, s2  }
0x1e: {  	s7 =	smul.u32 @!p0 $0xF7A, s2;
	p2 =	seq.s32 @!p0 s5, $0x0  }
0x1f: {  	s9 =	smul.u32 $0xF7A, s1;
	s8 =	simm.s32 @!p0 $0x1BF5;
	p2 =	por !p2, p0  }
0x20: {  	[sflag:s8] =	ssyncset.s32 @!p0 $0xFFFFF086;
	s6 =	sadd.s32 @!p0 s3, s7;
	s7 =	simm.s32 @!p0 $0x108  }
0x21: {  	s3 =	sadd.s32 s3, s9;
	s6 =	sadd.s32 @!p0 $0x88, s6;
	s7 =	simm.s32 @p2 $0x1082  }
0x22: {  	[simem:s7], [sflag:s8] =	dma.local @!p0 [hbm:s6], $0xF7A  }
0x23: {  	s9 =	sor.u32 $0xD0000000, s2;
	s6 =	simm.s32 $0x108;
	_ =	swait.ge @!p0 [sflag:s8], $0x0  }
0x24: {  	s3 =	sadd.s32 $0x88, s3;
	s6 =	simm.s32 @!p1 $0x1082;
	[sflag:s4] =	ssyncset.s32 $0xFFFFF086  }
0x25: {  	[simem:s6], [sflag:s4] =	dma.local [hbm:s3], $0xF7A  }
0x26: {  	[smem:$0x3F9D] =	sst s1;
	(tag) =	ssettag s2;
	_ =	strace s9  }
0x27: {  	s1 =	sld [smem:$0x3FAD]  }
0x28: {  	s2 =	sld [smem:$0x3FAE]  }
0x29: {  	s4 =	sld [smem:$0x3FB0]  }
0x2a: {  	p0 =	seq.s32 s5, $0x0;
	s5 =	sld [smem:$0x3FB1]  }
0x2b: {  	s6 =	sld [smem:$0x3FB2]  }
0x2c: {  	s7 =	sld [smem:$0x3FB3]  }
0x2d: {  	s3 =	simm.s32 $0x108;
	s8 =	sld [smem:$0x3FB4]  }
0x2e: {  	s3 =	simm.s32 @!p0 $0x1082;
	s9 =	sld [smem:$0x3FB5]  }
0x2f: {  	lr =	sadd.s32 s0, s3;
	s0 =	sld [smem:$0x3FAC]  }
0x30: {  	s3 =	sld [smem:$0x3FAF]  }
0x31: {  	[smem:$0x3FB8] =	sst s10  }
0x32: {  	s10 =	sld [smem:$0x3FB6];
	_ =	sdelay $0x3  }
0x33: {  	p0 =	seq.s32 s10, $0x1;
	s10 =	sld [smem:$0x3FB8];
	_ =	sdelay $0x3  }
0x34: {  	[smem:$0x3FB8] =	sst s10  }
0x35: {  	s10 =	sld [smem:$0x3FB7];
	_ =	sdelay $0x3  }
0x36: {  	p1 =	seq.s32 s10, $0x1;
	s10 =	sld [smem:$0x3FB8];
	_ =	sdelay $0x3  }
0x37: {  	[smem:$0x3FB8] =	sst s10  }
0x38: {  	s10 =	sld [smem:$0x3FB9]  }
0x39: {  	_ = 	snop;
	(pc) =	sbr.ind lr, $3  }
0x3a: {  	_ = 	snop  }
0x3b: {  	_ = 	snop  }
0x3c: {  	p2 =	seq.s32 s10, $0x1;
	s10 =	sld [smem:$0x3FB8]  }
0x3d: {  	_ =	shalt  }
0x3e: {  	_ =	shalt  }
0x3f: {  	_ =	shalt  }
0x40: {  	_ =	shalt  }
0x41: {  	_ =	shalt  }
0x42: {  	_ =	shalt  }
0x43: {  	_ =	shalt  }
0x44: {  	_ =	shalt  }
0x45: {  	_ =	shalt  }
0x46: {  	_ =	shalt  }
0x47: {  	_ =	shalt  }
0x48: {  	_ =	shalt  }
0x49: {  	_ =	shalt  }
0x4a: {  	_ =	shalt  }
0x4b: {  	_ =	shalt  }
0x4c: {  	_ =	shalt  }
0x4d: {  	_ =	shalt  }
0x4e: {  	_ =	shalt  }
0x4f: {  	_ =	shalt  }
0x50: {  	_ =	shalt  }
0x51: {  	_ =	shalt  }
0x52: {  	_ =	shalt  }
0x53: {  	_ =	shalt  }
0x54: {  	_ =	shalt  }
0x55: {  	_ =	shalt  }
0x56: {  	_ =	shalt  }
0x57: {  	_ =	shalt  }
0x58: {  	_ =	shalt  }
0x59: {  	_ =	shalt  }
0x5a: {  	_ =	shalt  }
0x5b: {  	_ =	shalt  }
0x5c: {  	_ =	shalt  }
0x5d: {  	_ =	shalt  }
0x5e: {  	_ =	shalt  }
0x5f: {  	_ =	shalt  }
0x60: {  	_ =	shalt  }
0x61: {  	_ =	shalt  }
0x62: {  	_ =	shalt  }
0x63: {  	_ =	shalt  }
0x64: {  	_ =	shalt  }
0x65: {  	_ =	shalt  }
0x66: {  	_ =	shalt  }
0x67: {  	_ =	shalt  }
0x68: {  	_ =	shalt  }
0x69: {  	_ =	shalt  }
0x6a: {  	_ =	shalt  }
0x6b: {  	_ =	shalt  }
0x6c: {  	_ =	shalt  }
0x6d: {  	_ =	shalt  }
0x6e: {  	_ =	shalt  }
0x6f: {  	_ =	shalt  }
0x70: {  	_ =	shalt  }
0x71: {  	_ =	shalt  }
0x72: {  	_ =	shalt  }
0x73: {  	_ =	shalt  }
0x74: {  	_ =	shalt  }
0x75: {  	_ =	shalt  }
0x76: {  	_ =	shalt  }
0x77: {  	_ =	shalt  }
0x78: {  	_ =	shalt  }
0x79: {  	_ =	shalt  }
0x7a: {  	_ =	shalt  }
0x7b: {  	_ =	shalt  }
0x7c: {  	_ =	shalt  }
0x7d: {  	_ =	shalt  }
0x7e: {  	_ =	shalt  }
0x7f: {  	_ =	shalt  }
0x80: {  	_ =	shalt  }
0x81: {  	_ =	shalt  }
0x82: {  	_ =	shalt  }
0x83: {  	_ =	shalt  }
0x84: {  	_ =	shalt  }
0x85: {  	_ =	shalt  }
0x86: {  	_ =	shalt  }
0x87: {  	_ =	shalt  }
.Lfunc_end0:
.L_simem_size_0:
called_computation_lowered:
.L_overlay_start_0:
0x88: {  	s2 =	sld [smem:$0x3FD9]  }
0x89: {  	s3 =	sld [smem:$0x3FFE];
	_ =	sdelay $0x1  }
0x8a: {  	s1 =	srdreg.scid  }
0x8b: {  	s0 =	sand.u32 $0x1, s1  }
0x8c: {  	s17 =	sshll.u32 s0, $0xA;
	s2 =	sadd.s32 s3, s2  }
0x8d: {  	s2 =	sadd.s32 s2, s17  }
0x8e: {  	[smem:$0x3FC4] =	sst s2  }
0x8f: {  	_ = 	snop  }
0x90: {  	s2 =	sld [smem:$0x3FD0];
	(tm) =	ssettm $0x1  }
0x91: {  	s18 =	sld [smem:$0x3FFB];
	_ =	sdelay $0x3  }
0x92: {  	_ =	strace s18  }
0x93: {  	s3 =	sld [smem:$0x3FFC];
	_ =	sdelay $0x3  }
0x94: {  	_ =	strace s3  }
0x95: {  	s3 =	sld [smem:$0x3FFD];
	_ =	sdelay $0x3  }
0x96: {  	_ =	strace s3  }
0x97: {  	_ =	strace $0x8FFFFFFF  }
0x98: {  	s19 =	sld [smem:$0x3FDB];
	_ =	sdelay $0x1  }
0x99: {  	s4 =	simm.s32 $_scs_section_size  }
0x9a: {  	s5 =	simm.s32 $_size__tile_overlayer_lowered;
	s6 =	simm.s32 $_tile_overlayer_lowered  }
0x9b: {  	s22 =	simm.s32 $0x1BFF;
	s21 =	sshll.u32 s6, $0x1;
	s3 =	sadd.s32 s4, s19  }
0x9c: {  	s7 =	simm.s32 $0x0;
	s20 =	sshll.u32 s5, $0x1;
	s5 =	sadd.s32 s21, s3  }
0x9d: {  	[timem:s7], [sflag:s22] =	dma.local [hbm:s5], s20  }
0x9e: {  	_ =	swait.ge [sflag:s22], s20  }
0x9f: {  	s4 =	ssub.s32 $0x0, s20;
	[sflag:s22] =	ssyncset.done $0x0  }
0xa0: {  	[sflag:s22] =	ssyncadd.s32 s4;
	_ =	sdelay $0x1  }
0xa1: {  	s23 =	simm.s32 $0x1B8B  }
0xa2: {  	_ =	swait.ge [sflag:s23], $0x1  }
0xa3: {  	[sflag:s23] =	ssyncset.done $0x0  }
0xa4: {  	s25 =	simm.s32 $0x1B8E;
	s24 =	sld [smem:$0x3FFE];
	[sflag:s23] =	ssyncadd.s32 $0xFFFFFFFF  }
0xa5: {  	s26 =	simm.s32 $execute0_lowered;
	[smem:$0x3FD2] =	sst s25  }
0xa6: {  	s5 =	sshll.u32 s26, $0x1;
	_ =	strace $0x80000046;
	[dreg:$0x1] =	wrdreg $0xFFFFFFFF  }
0xa7: {  	s28 =	simm.s32 $_size_execute0_lowered;
	s3 =	sadd.s32 s3, s5;
	[dreg:$0x0] =	wrdreg $0x0  }
0xa8: {  	s5 =	sshll.u32 s28, $0x1;
	[dreg:$0x2] =	wrdreg s3  }
0xa9: {  	[dreg:$0x3] =	wrdreg s5  }
0xaa: {  	[dreg:$0x4] =	wrdreg $0xC0  }
0xab: {  	_ =	task [dreg:s7], $0x5FFFF  }
0xac: {  	[dreg:$0x1] =	wrdreg $0xFFFFFFFF  }
0xad: {  	[dreg:$0x0] =	wrdreg $0x60  }
0xae: {  	[dreg:$0x2] =	wrdreg s24  }
0xaf: {  	[dreg:$0x3] =	wrdreg s2  }
0xb0: {  	[dreg:$0x4] =	wrdreg $0x9  }
0xb1: {  	_ =	task.clear_ibuf [dreg:s7], $0x5FFFF;
	_ =	strace $0x90000046  }
0xb2: {  	s29 =	simm.s32 $0x9;
	_ =	strace $0x80000048  }
0xb3: {  	_ =	swait.ge [sflag:s29], $0x1  }
0xb4: {  	[sflag:s29] =	ssyncadd.s32 $0xFFFFFFFF  }
0xb5: {  	_ =	strace $0x90000048  }
0xb6: {  	_ =	sfence  }
0xb7: {  	s30 =	sld [smem:$0x0];
	_ =	sdelay $0x2  }
0xb8: {  	s31 =	sshll.u32 s1, $0xD;
	s1 =	sshrl.u32 s1, $0x2  }
0xb9: {  	s3 =	sand.u32 $0x4000, s31;
	s1 =	sadd.s32 s1, s30  }
0xba: {  	s0 =	sor.u32 s3, s0;
	s1 =	sshll.u32 s1, $0x11  }
0xbb: {  	s0 =	sor.u32 s1, s0  }
0xbc: {  	s0 =	sadd.s32 $0x8F2B, s0  }
0xbd: {  	[sflag:s0] =	ssyncadd.remote.s32 $0x1  }
0xbe: {  	_ =	sfence.sel $0xFFFF  }
0xbf: {  	[dreg:$0x0] =	wrdreg $0xFFFFFFFF;
	(pc) =	sbr.abs _section_cstart, $3  }
0xc0: {  	[dreg:$0x1] =	wrdreg $0xFFFFFFFF  }
0xc1: {  	_ =	task.clear_ibuf [dreg:s7], $0x2FFFF;
	_ =	strace $0x9FFFFFFF  }
0xc2: {  	(tm) =	ssettm $0x7FFFFFFF  }
0xc3: {  	_ =	shalt  }
tec
execute0_lowered:
.L_overlay_start_1:
0x0: {  	(tag) =	ssettag $0x1  }
0x1: {  	s0 =	srdreg.scid;
	s2 =	stileid.u32  }
0x2: {  	s1 =	rddreg [dreg:$0x0];
	s0 =	sand.u32 $0x1, s0;
	s2 =	sshll.u32 s2, $0x1  }
0x3: {  	s3 =	rddreg [dreg:$0x1];
	s4 =	sor.u32 s0, s2  }
0x4: {  	s2 =	simm.s32 $0x0;
	s5 =	sshll.u32 s4, $0x8;
	s4 =	sshll.u32 s4, $0x10  }
0x5: {  	[smem:$0x7FF] =	sst s2;
	s5 =	sadd.s32 s5, s1;
	s12 =	sadd.s32 s3, s4  }
0x6: {  	_ =	strace $0x80000047;
	s5 =	sadd.s32 $0xC00, s5;
	[dreg:$0x13] =	wrdreg s12  }
0x7: {  	s3 =	sadd.s32 $0x1000, s12;
	[dreg:$0x3] =	wrdreg s5  }
0x8: {  	s15 =	simm.s32 $0x5;
	s16 =	sadd.s32 $0x2000, s12;
	[dreg:$0x4] =	wrdreg s3  }
0x9: {  	s6 =	sadd.s32 $0x2E00, s1;
	s17 =	sadd.s32 $0x3000, s12;
	[dreg:$0x5] =	wrdreg s16  }
0xa: {  	s7 =	sadd.s32 $0x2F00, s1;
	s18 =	sadd.s32 $0x4000, s12;
	[dreg:$0x6] =	wrdreg s17  }
0xb: {  	s8 =	sadd.s32 $0x3000, s1;
	s19 =	sadd.s32 $0x5000, s12;
	[dreg:$0x7] =	wrdreg s18  }
0xc: {  	s9 =	sadd.s32 $0x3100, s1;
	s20 =	sadd.s32 $0x6000, s12;
	[dreg:$0x8] =	wrdreg s19  }
0xd: {  	s10 =	sadd.s32 $0x3200, s1;
	s22 =	sadd.s32 $0x7000, s12;
	[dreg:$0x9] =	wrdreg s20  }
0xe: {  	s11 =	sadd.s32 $0x3300, s1;
	s23 =	sadd.s32 $0x8000, s12;
	[dreg:$0xa] =	wrdreg s22  }
0xf: {  	s0 =	ssub.s32 $0x2, s0;
	s24 =	sadd.s32 $0x9000, s12;
	[dreg:$0xb] =	wrdreg s23  }
0x10: {  	s21 =	sshrl.u32 s0, $0x1;
	s25 =	sadd.s32 $0xA000, s12;
	[dreg:$0xc] =	wrdreg s24  }
0x11: {  	s4 =	sadd.s32 $0x2C00, s1;
	s26 =	sadd.s32 $0xB000, s12;
	[dreg:$0xd] =	wrdreg s25  }
0x12: {  	s0 =	ssub.s32 s0, s21;
	s28 =	sadd.s32 $0xC000, s12;
	[dreg:$0xe] =	wrdreg s26  }
0x13: {  	s21 =	simm.s32 $0x800;
	s29 =	sadd.s32 $0xD000, s12;
	[dreg:$0xf] =	wrdreg s28  }
0x14: {  	s30 =	sadd.s32 $0xE000, s12;
	s31 =	sadd.s32 $0xF000, s12;
	[dreg:$0x10] =	wrdreg s29  }
0x15: {  	v2 =	vlaneseq.u32;
	s12 =	smax.u32 s0, $0x1;
	s0 =	simm.s32 $0x4;
	[dreg:$0x11] =	wrdreg s30  }
0x16: {  	vm0 =	vmmov $0xffff;
	v1 =	vshrl.u32 v2, $0x3;
	s5 =	sadd.s32 $0x2D00, s1;
	[dreg:$0x12] =	wrdreg s31;
	s1 =	simm.s32 $0x1  }
0x17: {  	v0 =	vand.u32 $0x7, v2;
	v2 =	vor.u32 $0x8, v2;
	v1 =	vmul.u32 $0x8, v1;
	s22 =	simm.s32 $0x2;
	s16 =	simm.s32 $0x3;
	s17 =	simm.s32 $0x6  }
.LBB2_1:
0x18: {  	[dreg:$0x14] =	wrdreg s12  }
0x19: {  	s18 =	rddreg [dreg:$0x3];
	s31 =	simm.s32 $0x7  }
0x1a: {  	[tilespmem:s2], [sflag:$0x7] =	stream.linear.gather [hbm4b:s18+s2], $0x800, $0x38;
	[tilespmem:$0x18800] =	vst v63  }
0x1b: {  	_ =	swait.ge [sflag:s31], $0x800  }
0x1c: {  	[sflag:s31] =	ssyncset.done $0x0  }
0x1d: {  	[sflag:s31] =	ssyncadd.s32 $0xFFFFF800  }
0x1e: {  	v3 =	vld [tilespmem:$0x0];
	_ =	sdelay $0x4  }
0x1f: {  	v4 =	vshll.u32 v3, $0x4  }
0x20: {  	v3 =	vand.u32 $0x7, v3;
	v4 =	vand.u32 $0xFFFFFF80, v4  }
0x21: {  	v3 =	vor.u32 v3, v4  }
0x22: {  	v4 =	vperm.xlane v3, v0;
	_ =	sdelay $0x1  }
0x23: {  	v4 =	vadd.s32 v1, v4;
	_ =	sdelay $0x4  }
0x24: {  	[tilespmem:s21], [sflag:$0x1] =	stream.indirect_vreg.gather [hbm4b:s4+s2], $0x80, v4, vm0, $0xb8;
	[tilespmem:$0x18800] =	vst v63  }
0x25: {  	s3 =	simm.s32 $0x1000  }
0x26: {  	[tilespmem:s3], [sflag:$0x1] =	stream.indirect_vreg.gather [hbm4b:s5+s2], $0x80, v4, vm0, $0xb8;
	[tilespmem:$0x18800] =	vst v63  }
0x27: {  	s12 =	simm.s32 $0x1800  }
0x28: {  	[tilespmem:s12], [sflag:$0x1] =	stream.indirect_vreg.gather [hbm4b:s6+s2], $0x80, v4, vm0, $0xb8;
	[tilespmem:$0x18800] =	vst v63  }
0x29: {  	s13 =	simm.s32 $0x2000  }
0x2a: {  	[tilespmem:s13], [sflag:$0x1] =	stream.indirect_vreg.gather [hbm4b:s7+s2], $0x80, v4, vm0, $0xb8;
	[tilespmem:$0x18800] =	vst v63  }
0x2b: {  	s14 =	simm.s32 $0x2800  }
0x2c: {  	[tilespmem:s14], [sflag:$0x1] =	stream.indirect_vreg.gather [hbm4b:s8+s2], $0x80, v4, vm0, $0xb8;
	[tilespmem:$0x18800] =	vst v63  }
0x2d: {  	s19 =	simm.s32 $0x3000;
	v3 =	vperm.xlane v3, v2  }
0x2e: {  	[tilespmem:s19], [sflag:$0x1] =	stream.indirect_vreg.gather [hbm4b:s9+s2], $0x80, v4, vm0, $0xb8;
	[tilespmem:$0x18800] =	vst v63  }
0x2f: {  	s20 =	simm.s32 $0x3800;
	v3 =	vadd.s32 v1, v3  }
0x30: {  	[tilespmem:s20], [sflag:$0x1] =	stream.indirect_vreg.gather [hbm4b:s10+s2], $0x80, v4, vm0, $0xb8;
	[tilespmem:$0x18800] =	vst v63  }
0x31: {  	s23 =	simm.s32 $0x4000  }
0x32: {  	[tilespmem:s23], [sflag:$0x1] =	stream.indirect_vreg.gather [hbm4b:s11+s2], $0x80, v4, vm0, $0xb8;
	[tilespmem:$0x18800] =	vst v63  }
0x33: {  	s24 =	simm.s32 $0x4800  }
0x34: {  	[tilespmem:s24], [sflag:$0x1] =	stream.indirect_vreg.gather [hbm4b:s4+s2], $0x80, v3, vm0, $0xb8;
	[tilespmem:$0x18800] =	vst v63  }
0x35: {  	s25 =	simm.s32 $0x5000  }
0x36: {  	[tilespmem:s25], [sflag:$0x1] =	stream.indirect_vreg.gather [hbm4b:s5+s2], $0x80, v3, vm0, $0xb8;
	[tilespmem:$0x18800] =	vst v63  }
0x37: {  	s26 =	simm.s32 $0x5800  }
0x38: {  	[tilespmem:s26], [sflag:$0x1] =	stream.indirect_vreg.gather [hbm4b:s6+s2], $0x80, v3, vm0, $0xb8;
	[tilespmem:$0x18800] =	vst v63  }
0x39: {  	s28 =	simm.s32 $0x6000  }
0x3a: {  	[tilespmem:s28], [sflag:$0x1] =	stream.indirect_vreg.gather [hbm4b:s7+s2], $0x80, v3, vm0, $0xb8;
	[tilespmem:$0x18800] =	vst v63  }
0x3b: {  	s29 =	simm.s32 $0x6800  }
0x3c: {  	[tilespmem:s29], [sflag:$0x1] =	stream.indirect_vreg.gather [hbm4b:s8+s2], $0x80, v3, vm0, $0xb8;
	[tilespmem:$0x18800] =	vst v63  }
0x3d: {  	s12 =	simm.s32 $0x7000  }
0x3e: {  	[tilespmem:s12], [sflag:$0x1] =	stream.indirect_vreg.gather [hbm4b:s9+s2], $0x80, v3, vm0, $0xb8;
	[tilespmem:$0x18800] =	vst v63  }
0x3f: {  	s13 =	simm.s32 $0x7800  }
0x40: {  	[tilespmem:s13], [sflag:$0x1] =	stream.indirect_vreg.gather [hbm4b:s10+s2], $0x80, v3, vm0, $0xb8;
	[tilespmem:$0x18800] =	vst v63  }
0x41: {  	s14 =	simm.s32 $0x8000  }
0x42: {  	[tilespmem:s14], [sflag:$0x1] =	stream.indirect_vreg.gather [hbm4b:s11+s2], $0x80, v3, vm0, $0xb8;
	[tilespmem:$0x18800] =	vst v63  }
0x43: {  	v3 =	vld [tilespmem:$0x80];
	_ =	sdelay $0x4  }
0x44: {  	v49 =	vshll.u32 v3, $0x4  }
0x45: {  	v3 =	vand.u32 $0x7, v3;
	v4 =	vand.u32 $0xFFFFFF80, v49  }
0x46: {  	v3 =	vor.u32 v3, v4  }
0x47: {  	v4 =	vperm.xlane v3, v0;
	_ =	sdelay $0x1  }
0x48: {  	v4 =	vadd.s32 v1, v4;
	_ =	sdelay $0x3  }
0x49: {  	s14 =	simm.s32 $0x8800  }
0x4a: {  	[tilespmem:s14], [sflag:$0x2] =	stream.indirect_vreg.gather [hbm4b:s4+s2], $0x80, v4, vm0, $0xb8;
	[tilespmem:$0x18800] =	vst v63  }
0x4b: {  	s20 =	simm.s32 $0x9000  }
0x4c: {  	[tilespmem:s20], [sflag:$0x2] =	stream.indirect_vreg.gather [hbm4b:s5+s2], $0x80, v4, vm0, $0xb8;
	[tilespmem:$0x18800] =	vst v63  }
0x4d: {  	s13 =	simm.s32 $0x9800  }
0x4e: {  	[tilespmem:s13], [sflag:$0x2] =	stream.indirect_vreg.gather [hbm4b:s6+s2], $0x80, v4, vm0, $0xb8;
	[tilespmem:$0x18800] =	vst v63  }
0x4f: {  	s18 =	simm.s32 $0xA000  }
0x50: {  	[tilespmem:s18], [sflag:$0x2] =	stream.indirect_vreg.gather [hbm4b:s7+s2], $0x80, v4, vm0, $0xb8;
	[tilespmem:$0x18800] =	vst v63  }
0x51: {  	s20 =	simm.s32 $0xA800  }
0x52: {  	[tilespmem:s20], [sflag:$0x2] =	stream.indirect_vreg.gather [hbm4b:s8+s2], $0x80, v4, vm0, $0xb8;
	[tilespmem:$0x18800] =	vst v63  }
0x53: {  	v3 =	vperm.xlane v3, v2;
	s13 =	simm.s32 $0xB000  }
0x54: {  	[tilespmem:s13], [sflag:$0x2] =	stream.indirect_vreg.gather [hbm4b:s9+s2], $0x80, v4, vm0, $0xb8;
	[tilespmem:$0x18800] =	vst v63  }
0x55: {  	v3 =	vadd.s32 v1, v3;
	s18 =	simm.s32 $0xB800  }
0x56: {  	[tilespmem:s18], [sflag:$0x2] =	stream.indirect_vreg.gather [hbm4b:s10+s2], $0x80, v4, vm0, $0xb8;
	[tilespmem:$0x18800] =	vst v63  }
0x57: {  	s13 =	simm.s32 $0xC000  }
0x58: {  	[tilespmem:s13], [sflag:$0x2] =	stream.indirect_vreg.gather [hbm4b:s11+s2], $0x80, v4, vm0, $0xb8;
	[tilespmem:$0x18800] =	vst v63  }
0x59: {  	s18 =	simm.s32 $0xC800  }
0x5a: {  	[tilespmem:s18], [sflag:$0x2] =	stream.indirect_vreg.gather [hbm4b:s4+s2], $0x80, v3, vm0, $0xb8;
	[tilespmem:$0x18800] =	vst v63  }
0x5b: {  	s13 =	simm.s32 $0xD000  }
0x5c: {  	[tilespmem:s13], [sflag:$0x2] =	stream.indirect_vreg.gather [hbm4b:s5+s2], $0x80, v3, vm0, $0xb8;
	[tilespmem:$0x18800] =	vst v63  }
0x5d: {  	s18 =	simm.s32 $0xD800  }
0x5e: {  	[tilespmem:s18], [sflag:$0x2] =	stream.indirect_vreg.gather [hbm4b:s6+s2], $0x80, v3, vm0, $0xb8;
	[tilespmem:$0x18800] =	vst v63  }
0x5f: {  	s13 =	simm.s32 $0xE000  }
0x60: {  	[tilespmem:s13], [sflag:$0x2] =	stream.indirect_vreg.gather [hbm4b:s7+s2], $0x80, v3, vm0, $0xb8;
	[tilespmem:$0x18800] =	vst v63  }
0x61: {  	s18 =	simm.s32 $0xE800  }
0x62: {  	[tilespmem:s18], [sflag:$0x2] =	stream.indirect_vreg.gather [hbm4b:s8+s2], $0x80, v3, vm0, $0xb8;
	[tilespmem:$0x18800] =	vst v63  }
0x63: {  	s13 =	simm.s32 $0xF000  }
0x64: {  	[tilespmem:s13], [sflag:$0x2] =	stream.indirect_vreg.gather [hbm4b:s9+s2], $0x80, v3, vm0, $0xb8;
	[tilespmem:$0x18800] =	vst v63  }
0x65: {  	s18 =	simm.s32 $0xF800  }
0x66: {  	[tilespmem:s18], [sflag:$0x2] =	stream.indirect_vreg.gather [hbm4b:s10+s2], $0x80, v3, vm0, $0xb8;
	[tilespmem:$0x18800] =	vst v63  }
0x67: {  	s13 =	simm.s32 $0x10000  }
0x68: {  	[tilespmem:s13], [sflag:$0x2] =	stream.indirect_vreg.gather [hbm4b:s11+s2], $0x80, v3, vm0, $0xb8;
	[tilespmem:$0x18800] =	vst v63  }
0x69: {  	v3 =	vld [tilespmem:$0x100];
	_ =	sdelay $0x4  }
0x6a: {  	v50 =	vshll.u32 v3, $0x4  }
0x6b: {  	v3 =	vand.u32 $0x7, v3;
	v4 =	vand.u32 $0xFFFFFF80, v50  }
0x6c: {  	v3 =	vor.u32 v3, v4  }
0x6d: {  	v4 =	vperm.xlane v3, v0;
	_ =	sdelay $0x1  }
0x6e: {  	v4 =	vadd.s32 v1, v4;
	_ =	sdelay $0x3  }
0x6f: {  	s13 =	simm.s32 $0x10800  }
0x70: {  	[tilespmem:s13], [sflag:$0x3] =	stream.indirect_vreg.gather [hbm4b:s4+s2], $0x80, v4, vm0, $0xb8;
	[tilespmem:$0x18800] =	vst v63  }
0x71: {  	s14 =	simm.s32 $0x11000  }
0x72: {  	[tilespmem:s14], [sflag:$0x3] =	stream.indirect_vreg.gather [hbm4b:s5+s2], $0x80, v4, vm0, $0xb8;
	[tilespmem:$0x18800] =	vst v63  }
0x73: {  	s13 =	simm.s32 $0x11800  }
0x74: {  	[tilespmem:s13], [sflag:$0x3] =	stream.indirect_vreg.gather [hbm4b:s6+s2], $0x80, v4, vm0, $0xb8;
	[tilespmem:$0x18800] =	vst v63  }
0x75: {  	s14 =	simm.s32 $0x12000  }
0x76: {  	[tilespmem:s14], [sflag:$0x3] =	stream.indirect_vreg.gather [hbm4b:s7+s2], $0x80, v4, vm0, $0xb8;
	[tilespmem:$0x18800] =	vst v63  }
0x77: {  	s13 =	simm.s32 $0x12800  }
0x78: {  	[tilespmem:s13], [sflag:$0x3] =	stream.indirect_vreg.gather [hbm4b:s8+s2], $0x80, v4, vm0, $0xb8;
	[tilespmem:$0x18800] =	vst v63  }
0x79: {  	v3 =	vperm.xlane v3, v2;
	s14 =	simm.s32 $0x13000  }
0x7a: {  	[tilespmem:s14], [sflag:$0x3] =	stream.indirect_vreg.gather [hbm4b:s9+s2], $0x80, v4, vm0, $0xb8;
	[tilespmem:$0x18800] =	vst v63  }
0x7b: {  	v3 =	vadd.s32 v1, v3;
	s13 =	simm.s32 $0x13800  }
0x7c: {  	[tilespmem:s13], [sflag:$0x3] =	stream.indirect_vreg.gather [hbm4b:s10+s2], $0x80, v4, vm0, $0xb8;
	[tilespmem:$0x18800] =	vst v63  }
0x7d: {  	s14 =	simm.s32 $0x14000  }
0x7e: {  	[tilespmem:s14], [sflag:$0x3] =	stream.indirect_vreg.gather [hbm4b:s11+s2], $0x80, v4, vm0, $0xb8;
	[tilespmem:$0x18800] =	vst v63  }
0x7f: {  	s13 =	simm.s32 $0x14800  }
0x80: {  	[tilespmem:s13], [sflag:$0x3] =	stream.indirect_vreg.gather [hbm4b:s4+s2], $0x80, v3, vm0, $0xb8;
	[tilespmem:$0x18800] =	vst v63  }
0x81: {  	s14 =	simm.s32 $0x15000  }
0x82: {  	[tilespmem:s14], [sflag:$0x3] =	stream.indirect_vreg.gather [hbm4b:s5+s2], $0x80, v3, vm0, $0xb8;
	[tilespmem:$0x18800] =	vst v63  }
0x83: {  	s13 =	simm.s32 $0x15800  }
0x84: {  	[tilespmem:s13], [sflag:$0x3] =	stream.indirect_vreg.gather [hbm4b:s6+s2], $0x80, v3, vm0, $0xb8;
	[tilespmem:$0x18800] =	vst v63  }
0x85: {  	s14 =	simm.s32 $0x16000  }
0x86: {  	[tilespmem:s14], [sflag:$0x3] =	stream.indirect_vreg.gather [hbm4b:s7+s2], $0x80, v3, vm0, $0xb8;
	[tilespmem:$0x18800] =	vst v63  }
0x87: {  	s13 =	simm.s32 $0x16800  }
0x88: {  	[tilespmem:s13], [sflag:$0x3] =	stream.indirect_vreg.gather [hbm4b:s8+s2], $0x80, v3, vm0, $0xb8;
	[tilespmem:$0x18800] =	vst v63  }
0x89: {  	s14 =	simm.s32 $0x17000  }
0x8a: {  	[tilespmem:s14], [sflag:$0x3] =	stream.indirect_vreg.gather [hbm4b:s9+s2], $0x80, v3, vm0, $0xb8;
	[tilespmem:$0x18800] =	vst v63  }
0x8b: {  	s13 =	simm.s32 $0x17800  }
0x8c: {  	[tilespmem:s13], [sflag:$0x3] =	stream.indirect_vreg.gather [hbm4b:s10+s2], $0x80, v3, vm0, $0xb8;
	[tilespmem:$0x18800] =	vst v63  }
0x8d: {  	s14 =	simm.s32 $0x18000  }
0x8e: {  	[tilespmem:s14], [sflag:$0x3] =	stream.indirect_vreg.gather [hbm4b:s11+s2], $0x80, v3, vm0, $0xb8;
	[tilespmem:$0x18800] =	vst v63  }
0x8f: {  	_ =	swait.ge [sflag:s1], $0x8000  }
0x90: {  	[sflag:s1] =	ssyncset.done $0x0  }
0x91: {  	s13 =	rddreg [dreg:$0x13];
	[sflag:s1] =	ssyncadd.s32 $0xFFFF8000  }
0x92: {  	[hbm4b:s13+s2] =	stream.linear.scatter [tilespmem:s21], [sflag:$0x4], $0x8000, $0x38;
	[tilespmem:$0x18800] =	vst v63  }
0x93: {  	_ =	swait.ge [sflag:s0], $0x8000  }
0x94: {  	[sflag:s0] =	ssyncset.done $0x0  }
0x95: {  	[sflag:s0] =	ssyncadd.s32 $0xFFFF8000  }
0x96: {  	v3 =	vld [tilespmem:$0x180];
	_ =	sdelay $0x4  }
0x97: {  	v51 =	vshll.u32 v3, $0x4  }
0x98: {  	v3 =	vand.u32 $0x7, v3;
	v4 =	vand.u32 $0xFFFFFF80, v51  }
0x99: {  	v3 =	vor.u32 v3, v4  }
0x9a: {  	v4 =	vperm.xlane v3, v0;
	_ =	sdelay $0x1  }
0x9b: {  	v4 =	vadd.s32 v1, v4;
	_ =	sdelay $0x4  }
0x9c: {  	[tilespmem:s21], [sflag:$0x1] =	stream.indirect_vreg.gather [hbm4b:s4+s2], $0x80, v4, vm0, $0xb8;
	[tilespmem:$0x18800] =	vst v63  }
0x9d: {  	s30 =	simm.s32 $0x1000  }
0x9e: {  	[tilespmem:s30], [sflag:$0x1] =	stream.indirect_vreg.gather [hbm4b:s5+s2], $0x80, v4, vm0, $0xb8;
	[tilespmem:$0x18800] =	vst v63  }
0x9f: {  	s14 =	simm.s32 $0x1800  }
0xa0: {  	[tilespmem:s14], [sflag:$0x1] =	stream.indirect_vreg.gather [hbm4b:s6+s2], $0x80, v4, vm0, $0xb8;
	[tilespmem:$0x18800] =	vst v63  }
0xa1: {  	s18 =	simm.s32 $0x2000  }
0xa2: {  	[tilespmem:s18], [sflag:$0x1] =	stream.indirect_vreg.gather [hbm4b:s7+s2], $0x80, v4, vm0, $0xb8;
	[tilespmem:$0x18800] =	vst v63  }
0xa3: {  	s31 =	simm.s32 $0x2800  }
0xa4: {  	[tilespmem:s31], [sflag:$0x1] =	stream.indirect_vreg.gather [hbm4b:s8+s2], $0x80, v4, vm0, $0xb8;
	[tilespmem:$0x18800] =	vst v63  }
0xa5: {  	s3 =	simm.s32 $0x3000;
	v3 =	vperm.xlane v3, v2  }
0xa6: {  	[tilespmem:s3], [sflag:$0x1] =	stream.indirect_vreg.gather [hbm4b:s9+s2], $0x80, v4, vm0, $0xb8;
	[tilespmem:$0x18800] =	vst v63  }
0xa7: {  	v3 =	vadd.s32 v1, v3;
	s30 =	simm.s32 $0x3800  }
0xa8: {  	[tilespmem:s30], [sflag:$0x1] =	stream.indirect_vreg.gather [hbm4b:s10+s2], $0x80, v4, vm0, $0xb8;
	[tilespmem:$0x18800] =	vst v63  }
0xa9: {  	s31 =	simm.s32 $0x4000  }
0xaa: {  	[tilespmem:s31], [sflag:$0x1] =	stream.indirect_vreg.gather [hbm4b:s11+s2], $0x80, v4, vm0, $0xb8;
	[tilespmem:$0x18800] =	vst v63  }
0xab: {  	s19 =	simm.s32 $0x4800  }
0xac: {  	[tilespmem:s19], [sflag:$0x1] =	stream.indirect_vreg.gather [hbm4b:s4+s2], $0x80, v3, vm0, $0xb8;
	[tilespmem:$0x18800] =	vst v63  }
0xad: {  	s23 =	simm.s32 $0x5000  }
0xae: {  	[tilespmem:s23], [sflag:$0x1] =	stream.indirect_vreg.gather [hbm4b:s5+s2], $0x80, v3, vm0, $0xb8;
	[tilespmem:$0x18800] =	vst v63  }
0xaf: {  	s24 =	simm.s32 $0x5800  }
0xb0: {  	[tilespmem:s24], [sflag:$0x1] =	stream.indirect_vreg.gather [hbm4b:s6+s2], $0x80, v3, vm0, $0xb8;
	[tilespmem:$0x18800] =	vst v63  }
0xb1: {  	s25 =	simm.s32 $0x6000  }
0xb2: {  	[tilespmem:s25], [sflag:$0x1] =	stream.indirect_vreg.gather [hbm4b:s7+s2], $0x80, v3, vm0, $0xb8;
	[tilespmem:$0x18800] =	vst v63  }
0xb3: {  	s26 =	simm.s32 $0x6800  }
0xb4: {  	[tilespmem:s26], [sflag:$0x1] =	stream.indirect_vreg.gather [hbm4b:s8+s2], $0x80, v3, vm0, $0xb8;
	[tilespmem:$0x18800] =	vst v63  }
0xb5: {  	s28 =	simm.s32 $0x7000  }
0xb6: {  	[tilespmem:s28], [sflag:$0x1] =	stream.indirect_vreg.gather [hbm4b:s9+s2], $0x80, v3, vm0, $0xb8;
	[tilespmem:$0x18800] =	vst v63  }
0xb7: {  	s29 =	simm.s32 $0x7800  }
0xb8: {  	[tilespmem:s29], [sflag:$0x1] =	stream.indirect_vreg.gather [hbm4b:s10+s2], $0x80, v3, vm0, $0xb8;
	[tilespmem:$0x18800] =	vst v63  }
0xb9: {  	s12 =	simm.s32 $0x8000  }
0xba: {  	[tilespmem:s12], [sflag:$0x1] =	stream.indirect_vreg.gather [hbm4b:s11+s2], $0x80, v3, vm0, $0xb8;
	[tilespmem:$0x18800] =	vst v63  }
0xbb: {  	_ =	swait.ge [sflag:s22], $0x8000  }
0xbc: {  	[sflag:s22] =	ssyncset.done $0x0  }
0xbd: {  	s13 =	simm.s32 $0x8800;
	s12 =	rddreg [dreg:$0x4];
	[sflag:s22] =	ssyncadd.s32 $0xFFFF8000  }
0xbe: {  	[hbm4b:s12+s2] =	stream.linear.scatter [tilespmem:s13], [sflag:$0x5], $0x8000, $0x38;
	[tilespmem:$0x18800] =	vst v63  }
0xbf: {  	_ =	swait.ge [sflag:s15], $0x8000  }
0xc0: {  	[sflag:s15] =	ssyncset.done $0x0  }
0xc1: {  	[sflag:s15] =	ssyncadd.s32 $0xFFFF8000  }
0xc2: {  	v3 =	vld [tilespmem:$0x200];
	_ =	sdelay $0x4  }
0xc3: {  	v52 =	vshll.u32 v3, $0x4  }
0xc4: {  	v3 =	vand.u32 $0x7, v3;
	v4 =	vand.u32 $0xFFFFFF80, v52  }
0xc5: {  	v3 =	vor.u32 v3, v4  }
0xc6: {  	v4 =	vperm.xlane v3, v0;
	_ =	sdelay $0x1  }
0xc7: {  	v4 =	vadd.s32 v1, v4;
	_ =	sdelay $0x4  }
0xc8: {  	[tilespmem:s13], [sflag:$0x2] =	stream.indirect_vreg.gather [hbm4b:s4+s2], $0x80, v4, vm0, $0xb8;
	[tilespmem:$0x18800] =	vst v63  }
0xc9: {  	s19 =	simm.s32 $0x9000  }
0xca: {  	[tilespmem:s19], [sflag:$0x2] =	stream.indirect_vreg.gather [hbm4b:s5+s2], $0x80, v4, vm0, $0xb8;
	[tilespmem:$0x18800] =	vst v63  }
0xcb: {  	s23 =	simm.s32 $0x9800  }
0xcc: {  	[tilespmem:s23], [sflag:$0x2] =	stream.indirect_vreg.gather [hbm4b:s6+s2], $0x80, v4, vm0, $0xb8;
	[tilespmem:$0x18800] =	vst v63  }
0xcd: {  	s24 =	simm.s32 $0xA000  }
0xce: {  	[tilespmem:s24], [sflag:$0x2] =	stream.indirect_vreg.gather [hbm4b:s7+s2], $0x80, v4, vm0, $0xb8;
	[tilespmem:$0x18800] =	vst v63  }
0xcf: {  	s20 =	simm.s32 $0xA800  }
0xd0: {  	[tilespmem:s20], [sflag:$0x2] =	stream.indirect_vreg.gather [hbm4b:s8+s2], $0x80, v4, vm0, $0xb8;
	[tilespmem:$0x18800] =	vst v63  }
0xd1: {  	v3 =	vperm.xlane v3, v2;
	s13 =	simm.s32 $0xB000  }
0xd2: {  	[tilespmem:s13], [sflag:$0x2] =	stream.indirect_vreg.gather [hbm4b:s9+s2], $0x80, v4, vm0, $0xb8;
	[tilespmem:$0x18800] =	vst v63  }
0xd3: {  	s25 =	simm.s32 $0xB800;
	v3 =	vadd.s32 v1, v3  }
0xd4: {  	[tilespmem:s25], [sflag:$0x2] =	stream.indirect_vreg.gather [hbm4b:s10+s2], $0x80, v4, vm0, $0xb8;
	[tilespmem:$0x18800] =	vst v63  }
0xd5: {  	s26 =	simm.s32 $0xC000  }
0xd6: {  	[tilespmem:s26], [sflag:$0x2] =	stream.indirect_vreg.gather [hbm4b:s11+s2], $0x80, v4, vm0, $0xb8;
	[tilespmem:$0x18800] =	vst v63  }
0xd7: {  	s28 =	simm.s32 $0xC800  }
0xd8: {  	[tilespmem:s28], [sflag:$0x2] =	stream.indirect_vreg.gather [hbm4b:s4+s2], $0x80, v3, vm0, $0xb8;
	[tilespmem:$0x18800] =	vst v63  }
0xd9: {  	s29 =	simm.s32 $0xD000  }
0xda: {  	[tilespmem:s29], [sflag:$0x2] =	stream.indirect_vreg.gather [hbm4b:s5+s2], $0x80, v3, vm0, $0xb8;
	[tilespmem:$0x18800] =	vst v63  }
0xdb: {  	s30 =	simm.s32 $0xD800  }
0xdc: {  	[tilespmem:s30], [sflag:$0x2] =	stream.indirect_vreg.gather [hbm4b:s6+s2], $0x80, v3, vm0, $0xb8;
	[tilespmem:$0x18800] =	vst v63  }
0xdd: {  	s31 =	simm.s32 $0xE000  }
0xde: {  	[tilespmem:s31], [sflag:$0x2] =	stream.indirect_vreg.gather [hbm4b:s7+s2], $0x80, v3, vm0, $0xb8;
	[tilespmem:$0x18800] =	vst v63  }
0xdf: {  	s14 =	simm.s32 $0xE800  }
0xe0: {  	[tilespmem:s14], [sflag:$0x2] =	stream.indirect_vreg.gather [hbm4b:s8+s2], $0x80, v3, vm0, $0xb8;
	[tilespmem:$0x18800] =	vst v63  }
0xe1: {  	s12 =	simm.s32 $0xF000  }
0xe2: {  	[tilespmem:s12], [sflag:$0x2] =	stream.indirect_vreg.gather [hbm4b:s9+s2], $0x80, v3, vm0, $0xb8;
	[tilespmem:$0x18800] =	vst v63  }
0xe3: {  	s20 =	simm.s32 $0xF800  }
0xe4: {  	[tilespmem:s20], [sflag:$0x2] =	stream.indirect_vreg.gather [hbm4b:s10+s2], $0x80, v3, vm0, $0xb8;
	[tilespmem:$0x18800] =	vst v63  }
0xe5: {  	s14 =	simm.s32 $0x10000  }
0xe6: {  	[tilespmem:s14], [sflag:$0x2] =	stream.indirect_vreg.gather [hbm4b:s11+s2], $0x80, v3, vm0, $0xb8;
	[tilespmem:$0x18800] =	vst v63  }
0xe7: {  	_ =	swait.ge [sflag:s16], $0x8000  }
0xe8: {  	[sflag:s16] =	ssyncset.done $0x0  }
0xe9: {  	s3 =	simm.s32 $0x10800;
	s18 =	rddreg [dreg:$0x5];
	[sflag:s16] =	ssyncadd.s32 $0xFFFF8000  }
0xea: {  	[hbm4b:s18+s2] =	stream.linear.scatter [tilespmem:s3], [sflag:$0x6], $0x8000, $0x38;
	[tilespmem:$0x18800] =	vst v63  }
0xeb: {  	_ =	swait.ge [sflag:s17], $0x8000  }
0xec: {  	[sflag:s17] =	ssyncset.done $0x0  }
0xed: {  	[sflag:s17] =	ssyncadd.s32 $0xFFFF8000  }
0xee: {  	v3 =	vld [tilespmem:$0x280];
	_ =	sdelay $0x4  }
0xef: {  	v53 =	vshll.u32 v3, $0x4  }
0xf0: {  	v3 =	vand.u32 $0x7, v3;
	v4 =	vand.u32 $0xFFFFFF80, v53  }
0xf1: {  	v3 =	vor.u32 v3, v4  }
0xf2: {  	v4 =	vperm.xlane v3, v0;
	_ =	sdelay $0x1  }
0xf3: {  	v4 =	vadd.s32 v1, v4;
	_ =	sdelay $0x4  }
0xf4: {  	[tilespmem:s3], [sflag:$0x3] =	stream.indirect_vreg.gather [hbm4b:s4+s2], $0x80, v4, vm0, $0xb8;
	[tilespmem:$0x18800] =	vst v63  }
0xf5: {  	s18 =	simm.s32 $0x11000  }
0xf6: {  	[tilespmem:s18], [sflag:$0x3] =	stream.indirect_vreg.gather [hbm4b:s5+s2], $0x80, v4, vm0, $0xb8;
	[tilespmem:$0x18800] =	vst v63  }
0xf7: {  	s18 =	simm.s32 $0x11800  }
0xf8: {  	[tilespmem:s18], [sflag:$0x3] =	stream.indirect_vreg.gather [hbm4b:s6+s2], $0x80, v4, vm0, $0xb8;
	[tilespmem:$0x18800] =	vst v63  }
0xf9: {  	s18 =	simm.s32 $0x12000  }
0xfa: {  	[tilespmem:s18], [sflag:$0x3] =	stream.indirect_vreg.gather [hbm4b:s7+s2], $0x80, v4, vm0, $0xb8;
	[tilespmem:$0x18800] =	vst v63  }
0xfb: {  	s18 =	simm.s32 $0x12800  }
0xfc: {  	[tilespmem:s18], [sflag:$0x3] =	stream.indirect_vreg.gather [hbm4b:s8+s2], $0x80, v4, vm0, $0xb8;
	[tilespmem:$0x18800] =	vst v63  }
0xfd: {  	v3 =	vperm.xlane v3, v2;
	s18 =	simm.s32 $0x13000  }
0xfe: {  	[tilespmem:s18], [sflag:$0x3] =	stream.indirect_vreg.gather [hbm4b:s9+s2], $0x80, v4, vm0, $0xb8;
	[tilespmem:$0x18800] =	vst v63  }
0xff: {  	v3 =	vadd.s32 v1, v3;
	s18 =	simm.s32 $0x13800  }
0x100: {  	[tilespmem:s18], [sflag:$0x3] =	stream.indirect_vreg.gather [hbm4b:s10+s2], $0x80, v4, vm0, $0xb8;
	[tilespmem:$0x18800] =	vst v63  }
0x101: {  	s18 =	simm.s32 $0x14000  }
0x102: {  	[tilespmem:s18], [sflag:$0x3] =	stream.indirect_vreg.gather [hbm4b:s11+s2], $0x80, v4, vm0, $0xb8;
	[tilespmem:$0x18800] =	vst v63  }
0x103: {  	s18 =	simm.s32 $0x14800  }
0x104: {  	[tilespmem:s18], [sflag:$0x3] =	stream.indirect_vreg.gather [hbm4b:s4+s2], $0x80, v3, vm0, $0xb8;
	[tilespmem:$0x18800] =	vst v63  }
0x105: {  	s18 =	simm.s32 $0x15000  }
0x106: {  	[tilespmem:s18], [sflag:$0x3] =	stream.indirect_vreg.gather [hbm4b:s5+s2], $0x80, v3, vm0, $0xb8;
	[tilespmem:$0x18800] =	vst v63  }
0x107: {  	s18 =	simm.s32 $0x15800  }
0x108: {  	[tilespmem:s18], [sflag:$0x3] =	stream.indirect_vreg.gather [hbm4b:s6+s2], $0x80, v3, vm0, $0xb8;
	[tilespmem:$0x18800] =	vst v63  }
0x109: {  	s18 =	simm.s32 $0x16000  }
0x10a: {  	[tilespmem:s18], [sflag:$0x3] =	stream.indirect_vreg.gather [hbm4b:s7+s2], $0x80, v3, vm0, $0xb8;
	[tilespmem:$0x18800] =	vst v63  }
0x10b: {  	s18 =	simm.s32 $0x16800  }
0x10c: {  	[tilespmem:s18], [sflag:$0x3] =	stream.indirect_vreg.gather [hbm4b:s8+s2], $0x80, v3, vm0, $0xb8;
	[tilespmem:$0x18800] =	vst v63  }
0x10d: {  	s18 =	simm.s32 $0x17000  }
0x10e: {  	[tilespmem:s18], [sflag:$0x3] =	stream.indirect_vreg.gather [hbm4b:s9+s2], $0x80, v3, vm0, $0xb8;
	[tilespmem:$0x18800] =	vst v63  }
0x10f: {  	s18 =	simm.s32 $0x17800  }
0x110: {  	[tilespmem:s18], [sflag:$0x3] =	stream.indirect_vreg.gather [hbm4b:s10+s2], $0x80, v3, vm0, $0xb8;
	[tilespmem:$0x18800] =	vst v63  }
0x111: {  	s18 =	simm.s32 $0x18000  }
0x112: {  	[tilespmem:s18], [sflag:$0x3] =	stream.indirect_vreg.gather [hbm4b:s11+s2], $0x80, v3, vm0, $0xb8;
	[tilespmem:$0x18800] =	vst v63  }
0x113: {  	_ =	swait.ge [sflag:s1], $0x8000  }
0x114: {  	[sflag:s1] =	ssyncset.done $0x0  }
0x115: {  	s3 =	rddreg [dreg:$0x6];
	[sflag:s1] =	ssyncadd.s32 $0xFFFF8000  }
0x116: {  	[hbm4b:s3+s2] =	stream.linear.scatter [tilespmem:s21], [sflag:$0x4], $0x8000, $0x38;
	[tilespmem:$0x18800] =	vst v63  }
0x117: {  	_ =	swait.ge [sflag:s0], $0x8000  }
0x118: {  	[sflag:s0] =	ssyncset.done $0x0  }
0x119: {  	[sflag:s0] =	ssyncadd.s32 $0xFFFF8000  }
0x11a: {  	v3 =	vld [tilespmem:$0x300];
	_ =	sdelay $0x4  }
0x11b: {  	v54 =	vshll.u32 v3, $0x4  }
0x11c: {  	v3 =	vand.u32 $0x7, v3;
	v4 =	vand.u32 $0xFFFFFF80, v54  }
0x11d: {  	v3 =	vor.u32 v3, v4  }
0x11e: {  	v4 =	vperm.xlane v3, v0;
	_ =	sdelay $0x1  }
0x11f: {  	v4 =	vadd.s32 v1, v4;
	_ =	sdelay $0x4  }
0x120: {  	[tilespmem:s21], [sflag:$0x1] =	stream.indirect_vreg.gather [hbm4b:s4+s2], $0x80, v4, vm0, $0xb8;
	[tilespmem:$0x18800] =	vst v63  }
0x121: {  	s18 =	simm.s32 $0x1000  }
0x122: {  	[tilespmem:s18], [sflag:$0x1] =	stream.indirect_vreg.gather [hbm4b:s5+s2], $0x80, v4, vm0, $0xb8;
	[tilespmem:$0x18800] =	vst v63  }
0x123: {  	s18 =	simm.s32 $0x1800  }
0x124: {  	[tilespmem:s18], [sflag:$0x1] =	stream.indirect_vreg.gather [hbm4b:s6+s2], $0x80, v4, vm0, $0xb8;
	[tilespmem:$0x18800] =	vst v63  }
0x125: {  	s18 =	simm.s32 $0x2000  }
0x126: {  	[tilespmem:s18], [sflag:$0x1] =	stream.indirect_vreg.gather [hbm4b:s7+s2], $0x80, v4, vm0, $0xb8;
	[tilespmem:$0x18800] =	vst v63  }
0x127: {  	s18 =	simm.s32 $0x2800  }
0x128: {  	[tilespmem:s18], [sflag:$0x1] =	stream.indirect_vreg.gather [hbm4b:s8+s2], $0x80, v4, vm0, $0xb8;
	[tilespmem:$0x18800] =	vst v63  }
0x129: {  	v3 =	vperm.xlane v3, v2;
	s18 =	simm.s32 $0x3000  }
0x12a: {  	[tilespmem:s18], [sflag:$0x1] =	stream.indirect_vreg.gather [hbm4b:s9+s2], $0x80, v4, vm0, $0xb8;
	[tilespmem:$0x18800] =	vst v63  }
0x12b: {  	v3 =	vadd.s32 v1, v3;
	s18 =	simm.s32 $0x3800  }
0x12c: {  	[tilespmem:s18], [sflag:$0x1] =	stream.indirect_vreg.gather [hbm4b:s10+s2], $0x80, v4, vm0, $0xb8;
	[tilespmem:$0x18800] =	vst v63  }
0x12d: {  	s18 =	simm.s32 $0x4000  }
0x12e: {  	[tilespmem:s18], [sflag:$0x1] =	stream.indirect_vreg.gather [hbm4b:s11+s2], $0x80, v4, vm0, $0xb8;
	[tilespmem:$0x18800] =	vst v63  }
0x12f: {  	s18 =	simm.s32 $0x4800  }
0x130: {  	[tilespmem:s18], [sflag:$0x1] =	stream.indirect_vreg.gather [hbm4b:s4+s2], $0x80, v3, vm0, $0xb8;
	[tilespmem:$0x18800] =	vst v63  }
0x131: {  	s18 =	simm.s32 $0x5000  }
0x132: {  	[tilespmem:s18], [sflag:$0x1] =	stream.indirect_vreg.gather [hbm4b:s5+s2], $0x80, v3, vm0, $0xb8;
	[tilespmem:$0x18800] =	vst v63  }
0x133: {  	s18 =	simm.s32 $0x5800  }
0x134: {  	[tilespmem:s18], [sflag:$0x1] =	stream.indirect_vreg.gather [hbm4b:s6+s2], $0x80, v3, vm0, $0xb8;
	[tilespmem:$0x18800] =	vst v63  }
0x135: {  	s18 =	simm.s32 $0x6000  }
0x136: {  	[tilespmem:s18], [sflag:$0x1] =	stream.indirect_vreg.gather [hbm4b:s7+s2], $0x80, v3, vm0, $0xb8;
	[tilespmem:$0x18800] =	vst v63  }
0x137: {  	s18 =	simm.s32 $0x6800  }
0x138: {  	[tilespmem:s18], [sflag:$0x1] =	stream.indirect_vreg.gather [hbm4b:s8+s2], $0x80, v3, vm0, $0xb8;
	[tilespmem:$0x18800] =	vst v63  }
0x139: {  	s18 =	simm.s32 $0x7000  }
0x13a: {  	[tilespmem:s18], [sflag:$0x1] =	stream.indirect_vreg.gather [hbm4b:s9+s2], $0x80, v3, vm0, $0xb8;
	[tilespmem:$0x18800] =	vst v63  }
0x13b: {  	s18 =	simm.s32 $0x7800  }
0x13c: {  	[tilespmem:s18], [sflag:$0x1] =	stream.indirect_vreg.gather [hbm4b:s10+s2], $0x80, v3, vm0, $0xb8;
	[tilespmem:$0x18800] =	vst v63  }
0x13d: {  	s18 =	simm.s32 $0x8000  }
0x13e: {  	[tilespmem:s18], [sflag:$0x1] =	stream.indirect_vreg.gather [hbm4b:s11+s2], $0x80, v3, vm0, $0xb8;
	[tilespmem:$0x18800] =	vst v63  }
0x13f: {  	_ =	swait.ge [sflag:s22], $0x8000  }
0x140: {  	[sflag:s22] =	ssyncset.done $0x0  }
0x141: {  	s3 =	simm.s32 $0x8800;
	s18 =	rddreg [dreg:$0x7];
	[sflag:s22] =	ssyncadd.s32 $0xFFFF8000  }
0x142: {  	[hbm4b:s18+s2] =	stream.linear.scatter [tilespmem:s3], [sflag:$0x5], $0x8000, $0x38;
	[tilespmem:$0x18800] =	vst v63  }
0x143: {  	_ =	swait.ge [sflag:s15], $0x8000  }
0x144: {  	[sflag:s15] =	ssyncset.done $0x0  }
0x145: {  	[sflag:s15] =	ssyncadd.s32 $0xFFFF8000  }
0x146: {  	v3 =	vld [tilespmem:$0x380];
	_ =	sdelay $0x4  }
0x147: {  	v55 =	vshll.u32 v3, $0x4  }
0x148: {  	v3 =	vand.u32 $0x7, v3;
	v4 =	vand.u32 $0xFFFFFF80, v55  }
0x149: {  	v3 =	vor.u32 v3, v4  }
0x14a: {  	v4 =	vperm.xlane v3, v0;
	_ =	sdelay $0x1  }
0x14b: {  	v4 =	vadd.s32 v1, v4;
	_ =	sdelay $0x4  }
0x14c: {  	[tilespmem:s3], [sflag:$0x2] =	stream.indirect_vreg.gather [hbm4b:s4+s2], $0x80, v4, vm0, $0xb8;
	[tilespmem:$0x18800] =	vst v63  }
0x14d: {  	_ = 	snop  }
0x14e: {  	[tilespmem:s19], [sflag:$0x2] =	stream.indirect_vreg.gather [hbm4b:s5+s2], $0x80, v4, vm0, $0xb8;
	[tilespmem:$0x18800] =	vst v63  }
0x14f: {  	_ = 	snop  }
0x150: {  	[tilespmem:s23], [sflag:$0x2] =	stream.indirect_vreg.gather [hbm4b:s6+s2], $0x80, v4, vm0, $0xb8;
	[tilespmem:$0x18800] =	vst v63  }
0x151: {  	_ = 	snop  }
0x152: {  	[tilespmem:s24], [sflag:$0x2] =	stream.indirect_vreg.gather [hbm4b:s7+s2], $0x80, v4, vm0, $0xb8;
	[tilespmem:$0x18800] =	vst v63  }
0x153: {  	s19 =	simm.s32 $0xA800  }
0x154: {  	[tilespmem:s19], [sflag:$0x2] =	stream.indirect_vreg.gather [hbm4b:s8+s2], $0x80, v4, vm0, $0xb8;
	[tilespmem:$0x18800] =	vst v63  }
0x155: {  	v3 =	vperm.xlane v3, v2  }
0x156: {  	[tilespmem:s13], [sflag:$0x2] =	stream.indirect_vreg.gather [hbm4b:s9+s2], $0x80, v4, vm0, $0xb8;
	[tilespmem:$0x18800] =	vst v63  }
0x157: {  	v3 =	vadd.s32 v1, v3  }
0x158: {  	[tilespmem:s25], [sflag:$0x2] =	stream.indirect_vreg.gather [hbm4b:s10+s2], $0x80, v4, vm0, $0xb8;
	[tilespmem:$0x18800] =	vst v63  }
0x159: {  	_ = 	snop  }
0x15a: {  	[tilespmem:s26], [sflag:$0x2] =	stream.indirect_vreg.gather [hbm4b:s11+s2], $0x80, v4, vm0, $0xb8;
	[tilespmem:$0x18800] =	vst v63  }
0x15b: {  	_ = 	snop  }
0x15c: {  	[tilespmem:s28], [sflag:$0x2] =	stream.indirect_vreg.gather [hbm4b:s4+s2], $0x80, v3, vm0, $0xb8;
	[tilespmem:$0x18800] =	vst v63  }
0x15d: {  	_ = 	snop  }
0x15e: {  	[tilespmem:s29], [sflag:$0x2] =	stream.indirect_vreg.gather [hbm4b:s5+s2], $0x80, v3, vm0, $0xb8;
	[tilespmem:$0x18800] =	vst v63  }
0x15f: {  	_ = 	snop  }
0x160: {  	[tilespmem:s30], [sflag:$0x2] =	stream.indirect_vreg.gather [hbm4b:s6+s2], $0x80, v3, vm0, $0xb8;
	[tilespmem:$0x18800] =	vst v63  }
0x161: {  	_ = 	snop  }
0x162: {  	[tilespmem:s31], [sflag:$0x2] =	stream.indirect_vreg.gather [hbm4b:s7+s2], $0x80, v3, vm0, $0xb8;
	[tilespmem:$0x18800] =	vst v63  }
0x163: {  	s28 =	simm.s32 $0xE800  }
0x164: {  	[tilespmem:s28], [sflag:$0x2] =	stream.indirect_vreg.gather [hbm4b:s8+s2], $0x80, v3, vm0, $0xb8;
	[tilespmem:$0x18800] =	vst v63  }
0x165: {  	_ = 	snop  }
0x166: {  	[tilespmem:s12], [sflag:$0x2] =	stream.indirect_vreg.gather [hbm4b:s9+s2], $0x80, v3, vm0, $0xb8;
	[tilespmem:$0x18800] =	vst v63  }
0x167: {  	_ = 	snop  }
0x168: {  	[tilespmem:s20], [sflag:$0x2] =	stream.indirect_vreg.gather [hbm4b:s10+s2], $0x80, v3, vm0, $0xb8;
	[tilespmem:$0x18800] =	vst v63  }
0x169: {  	_ = 	snop  }
0x16a: {  	[tilespmem:s14], [sflag:$0x2] =	stream.indirect_vreg.gather [hbm4b:s11+s2], $0x80, v3, vm0, $0xb8;
	[tilespmem:$0x18800] =	vst v63  }
0x16b: {  	_ =	swait.ge [sflag:s16], $0x8000  }
0x16c: {  	[sflag:s16] =	ssyncset.done $0x0  }
0x16d: {  	s30 =	simm.s32 $0x10800;
	s29 =	rddreg [dreg:$0x8];
	[sflag:s16] =	ssyncadd.s32 $0xFFFF8000  }
0x16e: {  	[hbm4b:s29+s2] =	stream.linear.scatter [tilespmem:s30], [sflag:$0x6], $0x8000, $0x38;
	[tilespmem:$0x18800] =	vst v63  }
0x16f: {  	_ =	swait.ge [sflag:s17], $0x8000  }
0x170: {  	[sflag:s17] =	ssyncset.done $0x0  }
0x171: {  	[sflag:s17] =	ssyncadd.s32 $0xFFFF8000  }
0x172: {  	v3 =	vld [tilespmem:$0x400];
	_ =	sdelay $0x4  }
0x173: {  	v56 =	vshll.u32 v3, $0x4  }
0x174: {  	v3 =	vand.u32 $0x7, v3;
	v4 =	vand.u32 $0xFFFFFF80, v56  }
0x175: {  	v3 =	vor.u32 v3, v4  }
0x176: {  	v4 =	vperm.xlane v3, v0;
	_ =	sdelay $0x1  }
0x177: {  	v4 =	vadd.s32 v1, v4;
	_ =	sdelay $0x4  }
0x178: {  	[tilespmem:s30], [sflag:$0x3] =	stream.indirect_vreg.gather [hbm4b:s4+s2], $0x80, v4, vm0, $0xb8;
	[tilespmem:$0x18800] =	vst v63  }
0x179: {  	s14 =	simm.s32 $0x11000  }
0x17a: {  	[tilespmem:s14], [sflag:$0x3] =	stream.indirect_vreg.gather [hbm4b:s5+s2], $0x80, v4, vm0, $0xb8;
	[tilespmem:$0x18800] =	vst v63  }
0x17b: {  	s31 =	simm.s32 $0x11800  }
0x17c: {  	[tilespmem:s31], [sflag:$0x3] =	stream.indirect_vreg.gather [hbm4b:s6+s2], $0x80, v4, vm0, $0xb8;
	[tilespmem:$0x18800] =	vst v63  }
0x17d: {  	s18 =	simm.s32 $0x12000  }
0x17e: {  	[tilespmem:s18], [sflag:$0x3] =	stream.indirect_vreg.gather [hbm4b:s7+s2], $0x80, v4, vm0, $0xb8;
	[tilespmem:$0x18800] =	vst v63  }
0x17f: {  	s20 =	simm.s32 $0x12800  }
0x180: {  	[tilespmem:s20], [sflag:$0x3] =	stream.indirect_vreg.gather [hbm4b:s8+s2], $0x80, v4, vm0, $0xb8;
	[tilespmem:$0x18800] =	vst v63  }
0x181: {  	s23 =	simm.s32 $0x13000;
	v3 =	vperm.xlane v3, v2  }
0x182: {  	[tilespmem:s23], [sflag:$0x3] =	stream.indirect_vreg.gather [hbm4b:s9+s2], $0x80, v4, vm0, $0xb8;
	[tilespmem:$0x18800] =	vst v63  }
0x183: {  	s24 =	simm.s32 $0x13800;
	v3 =	vadd.s32 v1, v3  }
0x184: {  	[tilespmem:s24], [sflag:$0x3] =	stream.indirect_vreg.gather [hbm4b:s10+s2], $0x80, v4, vm0, $0xb8;
	[tilespmem:$0x18800] =	vst v63  }
0x185: {  	s25 =	simm.s32 $0x14000  }
0x186: {  	[tilespmem:s25], [sflag:$0x3] =	stream.indirect_vreg.gather [hbm4b:s11+s2], $0x80, v4, vm0, $0xb8;
	[tilespmem:$0x18800] =	vst v63  }
0x187: {  	s26 =	simm.s32 $0x14800  }
0x188: {  	[tilespmem:s26], [sflag:$0x3] =	stream.indirect_vreg.gather [hbm4b:s4+s2], $0x80, v3, vm0, $0xb8;
	[tilespmem:$0x18800] =	vst v63  }
0x189: {  	s28 =	simm.s32 $0x15000  }
0x18a: {  	[tilespmem:s28], [sflag:$0x3] =	stream.indirect_vreg.gather [hbm4b:s5+s2], $0x80, v3, vm0, $0xb8;
	[tilespmem:$0x18800] =	vst v63  }
0x18b: {  	s29 =	simm.s32 $0x15800  }
0x18c: {  	[tilespmem:s29], [sflag:$0x3] =	stream.indirect_vreg.gather [hbm4b:s6+s2], $0x80, v3, vm0, $0xb8;
	[tilespmem:$0x18800] =	vst v63  }
0x18d: {  	s30 =	simm.s32 $0x16000  }
0x18e: {  	[tilespmem:s30], [sflag:$0x3] =	stream.indirect_vreg.gather [hbm4b:s7+s2], $0x80, v3, vm0, $0xb8;
	[tilespmem:$0x18800] =	vst v63  }
0x18f: {  	s31 =	simm.s32 $0x16800  }
0x190: {  	[tilespmem:s31], [sflag:$0x3] =	stream.indirect_vreg.gather [hbm4b:s8+s2], $0x80, v3, vm0, $0xb8;
	[tilespmem:$0x18800] =	vst v63  }
0x191: {  	s18 =	simm.s32 $0x17000  }
0x192: {  	[tilespmem:s18], [sflag:$0x3] =	stream.indirect_vreg.gather [hbm4b:s9+s2], $0x80, v3, vm0, $0xb8;
	[tilespmem:$0x18800] =	vst v63  }
0x193: {  	s20 =	simm.s32 $0x17800  }
0x194: {  	[tilespmem:s20], [sflag:$0x3] =	stream.indirect_vreg.gather [hbm4b:s10+s2], $0x80, v3, vm0, $0xb8;
	[tilespmem:$0x18800] =	vst v63  }
0x195: {  	s23 =	simm.s32 $0x18000  }
0x196: {  	[tilespmem:s23], [sflag:$0x3] =	stream.indirect_vreg.gather [hbm4b:s11+s2], $0x80, v3, vm0, $0xb8;
	[tilespmem:$0x18800] =	vst v63  }
0x197: {  	_ =	swait.ge [sflag:s1], $0x8000  }
0x198: {  	[sflag:s1] =	ssyncset.done $0x0  }
0x199: {  	s24 =	rddreg [dreg:$0x9];
	[sflag:s1] =	ssyncadd.s32 $0xFFFF8000  }
0x19a: {  	[hbm4b:s24+s2] =	stream.linear.scatter [tilespmem:s21], [sflag:$0x4], $0x8000, $0x38;
	[tilespmem:$0x18800] =	vst v63  }
0x19b: {  	_ =	swait.ge [sflag:s0], $0x8000  }
0x19c: {  	[sflag:s0] =	ssyncset.done $0x0  }
0x19d: {  	[sflag:s0] =	ssyncadd.s32 $0xFFFF8000  }
0x19e: {  	v3 =	vld [tilespmem:$0x480];
	_ =	sdelay $0x4  }
0x19f: {  	v57 =	vshll.u32 v3, $0x4  }
0x1a0: {  	v3 =	vand.u32 $0x7, v3;
	v4 =	vand.u32 $0xFFFFFF80, v57  }
0x1a1: {  	v3 =	vor.u32 v3, v4  }
0x1a2: {  	v4 =	vperm.xlane v3, v0;
	_ =	sdelay $0x1  }
0x1a3: {  	v4 =	vadd.s32 v1, v4;
	_ =	sdelay $0x4  }
0x1a4: {  	[tilespmem:s21], [sflag:$0x1] =	stream.indirect_vreg.gather [hbm4b:s4+s2], $0x80, v4, vm0, $0xb8;
	[tilespmem:$0x18800] =	vst v63  }
0x1a5: {  	s20 =	simm.s32 $0x1000  }
0x1a6: {  	[tilespmem:s20], [sflag:$0x1] =	stream.indirect_vreg.gather [hbm4b:s5+s2], $0x80, v4, vm0, $0xb8;
	[tilespmem:$0x18800] =	vst v63  }
0x1a7: {  	s25 =	simm.s32 $0x1800  }
0x1a8: {  	[tilespmem:s25], [sflag:$0x1] =	stream.indirect_vreg.gather [hbm4b:s6+s2], $0x80, v4, vm0, $0xb8;
	[tilespmem:$0x18800] =	vst v63  }
0x1a9: {  	s13 =	simm.s32 $0x2000  }
0x1aa: {  	[tilespmem:s13], [sflag:$0x1] =	stream.indirect_vreg.gather [hbm4b:s7+s2], $0x80, v4, vm0, $0xb8;
	[tilespmem:$0x18800] =	vst v63  }
0x1ab: {  	s30 =	simm.s32 $0x2800  }
0x1ac: {  	[tilespmem:s30], [sflag:$0x1] =	stream.indirect_vreg.gather [hbm4b:s8+s2], $0x80, v4, vm0, $0xb8;
	[tilespmem:$0x18800] =	vst v63  }
0x1ad: {  	s31 =	simm.s32 $0x3000;
	v3 =	vperm.xlane v3, v2  }
0x1ae: {  	[tilespmem:s31], [sflag:$0x1] =	stream.indirect_vreg.gather [hbm4b:s9+s2], $0x80, v4, vm0, $0xb8;
	[tilespmem:$0x18800] =	vst v63  }
0x1af: {  	s26 =	simm.s32 $0x3800;
	v3 =	vadd.s32 v1, v3  }
0x1b0: {  	[tilespmem:s26], [sflag:$0x1] =	stream.indirect_vreg.gather [hbm4b:s10+s2], $0x80, v4, vm0, $0xb8;
	[tilespmem:$0x18800] =	vst v63  }
0x1b1: {  	s28 =	simm.s32 $0x4000  }
0x1b2: {  	[tilespmem:s28], [sflag:$0x1] =	stream.indirect_vreg.gather [hbm4b:s11+s2], $0x80, v4, vm0, $0xb8;
	[tilespmem:$0x18800] =	vst v63  }
0x1b3: {  	s29 =	simm.s32 $0x4800  }
0x1b4: {  	[tilespmem:s29], [sflag:$0x1] =	stream.indirect_vreg.gather [hbm4b:s4+s2], $0x80, v3, vm0, $0xb8;
	[tilespmem:$0x18800] =	vst v63  }
0x1b5: {  	s23 =	simm.s32 $0x5000  }
0x1b6: {  	[tilespmem:s23], [sflag:$0x1] =	stream.indirect_vreg.gather [hbm4b:s5+s2], $0x80, v3, vm0, $0xb8;
	[tilespmem:$0x18800] =	vst v63  }
0x1b7: {  	s24 =	simm.s32 $0x5800  }
0x1b8: {  	[tilespmem:s24], [sflag:$0x1] =	stream.indirect_vreg.gather [hbm4b:s6+s2], $0x80, v3, vm0, $0xb8;
	[tilespmem:$0x18800] =	vst v63  }
0x1b9: {  	s25 =	simm.s32 $0x6000  }
0x1ba: {  	[tilespmem:s25], [sflag:$0x1] =	stream.indirect_vreg.gather [hbm4b:s7+s2], $0x80, v3, vm0, $0xb8;
	[tilespmem:$0x18800] =	vst v63  }
0x1bb: {  	s26 =	simm.s32 $0x6800  }
0x1bc: {  	[tilespmem:s26], [sflag:$0x1] =	stream.indirect_vreg.gather [hbm4b:s8+s2], $0x80, v3, vm0, $0xb8;
	[tilespmem:$0x18800] =	vst v63  }
0x1bd: {  	s28 =	simm.s32 $0x7000  }
0x1be: {  	[tilespmem:s28], [sflag:$0x1] =	stream.indirect_vreg.gather [hbm4b:s9+s2], $0x80, v3, vm0, $0xb8;
	[tilespmem:$0x18800] =	vst v63  }
0x1bf: {  	s29 =	simm.s32 $0x7800  }
0x1c0: {  	[tilespmem:s29], [sflag:$0x1] =	stream.indirect_vreg.gather [hbm4b:s10+s2], $0x80, v3, vm0, $0xb8;
	[tilespmem:$0x18800] =	vst v63  }
0x1c1: {  	s18 =	simm.s32 $0x8000  }
0x1c2: {  	[tilespmem:s18], [sflag:$0x1] =	stream.indirect_vreg.gather [hbm4b:s11+s2], $0x80, v3, vm0, $0xb8;
	[tilespmem:$0x18800] =	vst v63  }
0x1c3: {  	_ =	swait.ge [sflag:s22], $0x8000  }
0x1c4: {  	[sflag:s22] =	ssyncset.done $0x0  }
0x1c5: {  	s3 =	simm.s32 $0x8800;
	s18 =	rddreg [dreg:$0xa];
	[sflag:s22] =	ssyncadd.s32 $0xFFFF8000  }
0x1c6: {  	[hbm4b:s18+s2] =	stream.linear.scatter [tilespmem:s3], [sflag:$0x5], $0x8000, $0x38;
	[tilespmem:$0x18800] =	vst v63  }
0x1c7: {  	_ =	swait.ge [sflag:s15], $0x8000  }
0x1c8: {  	[sflag:s15] =	ssyncset.done $0x0  }
0x1c9: {  	[sflag:s15] =	ssyncadd.s32 $0xFFFF8000  }
0x1ca: {  	v3 =	vld [tilespmem:$0x500];
	_ =	sdelay $0x4  }
0x1cb: {  	v58 =	vshll.u32 v3, $0x4  }
0x1cc: {  	v3 =	vand.u32 $0x7, v3;
	v4 =	vand.u32 $0xFFFFFF80, v58  }
0x1cd: {  	v3 =	vor.u32 v3, v4  }
0x1ce: {  	v4 =	vperm.xlane v3, v0;
	_ =	sdelay $0x1  }
0x1cf: {  	v4 =	vadd.s32 v1, v4;
	_ =	sdelay $0x4  }
0x1d0: {  	[tilespmem:s3], [sflag:$0x2] =	stream.indirect_vreg.gather [hbm4b:s4+s2], $0x80, v4, vm0, $0xb8;
	[tilespmem:$0x18800] =	vst v63  }
0x1d1: {  	s18 =	simm.s32 $0x9000  }
0x1d2: {  	[tilespmem:s18], [sflag:$0x2] =	stream.indirect_vreg.gather [hbm4b:s5+s2], $0x80, v4, vm0, $0xb8;
	[tilespmem:$0x18800] =	vst v63  }
0x1d3: {  	s18 =	simm.s32 $0x9800  }
0x1d4: {  	[tilespmem:s18], [sflag:$0x2] =	stream.indirect_vreg.gather [hbm4b:s6+s2], $0x80, v4, vm0, $0xb8;
	[tilespmem:$0x18800] =	vst v63  }
0x1d5: {  	s18 =	simm.s32 $0xA000  }
0x1d6: {  	[tilespmem:s18], [sflag:$0x2] =	stream.indirect_vreg.gather [hbm4b:s7+s2], $0x80, v4, vm0, $0xb8;
	[tilespmem:$0x18800] =	vst v63  }
0x1d7: {  	_ = 	snop  }
0x1d8: {  	[tilespmem:s19], [sflag:$0x2] =	stream.indirect_vreg.gather [hbm4b:s8+s2], $0x80, v4, vm0, $0xb8;
	[tilespmem:$0x18800] =	vst v63  }
0x1d9: {  	v3 =	vperm.xlane v3, v2;
	s19 =	simm.s32 $0xB000  }
0x1da: {  	[tilespmem:s19], [sflag:$0x2] =	stream.indirect_vreg.gather [hbm4b:s9+s2], $0x80, v4, vm0, $0xb8;
	[tilespmem:$0x18800] =	vst v63  }
0x1db: {  	v3 =	vadd.s32 v1, v3;
	s18 =	simm.s32 $0xB800  }
0x1dc: {  	[tilespmem:s18], [sflag:$0x2] =	stream.indirect_vreg.gather [hbm4b:s10+s2], $0x80, v4, vm0, $0xb8;
	[tilespmem:$0x18800] =	vst v63  }
0x1dd: {  	s19 =	simm.s32 $0xC000  }
0x1de: {  	[tilespmem:s19], [sflag:$0x2] =	stream.indirect_vreg.gather [hbm4b:s11+s2], $0x80, v4, vm0, $0xb8;
	[tilespmem:$0x18800] =	vst v63  }
0x1df: {  	s18 =	simm.s32 $0xC800  }
0x1e0: {  	[tilespmem:s18], [sflag:$0x2] =	stream.indirect_vreg.gather [hbm4b:s4+s2], $0x80, v3, vm0, $0xb8;
	[tilespmem:$0x18800] =	vst v63  }
0x1e1: {  	s19 =	simm.s32 $0xD000  }
0x1e2: {  	[tilespmem:s19], [sflag:$0x2] =	stream.indirect_vreg.gather [hbm4b:s5+s2], $0x80, v3, vm0, $0xb8;
	[tilespmem:$0x18800] =	vst v63  }
0x1e3: {  	s18 =	simm.s32 $0xD800  }
0x1e4: {  	[tilespmem:s18], [sflag:$0x2] =	stream.indirect_vreg.gather [hbm4b:s6+s2], $0x80, v3, vm0, $0xb8;
	[tilespmem:$0x18800] =	vst v63  }
0x1e5: {  	s19 =	simm.s32 $0xE000  }
0x1e6: {  	[tilespmem:s19], [sflag:$0x2] =	stream.indirect_vreg.gather [hbm4b:s7+s2], $0x80, v3, vm0, $0xb8;
	[tilespmem:$0x18800] =	vst v63  }
0x1e7: {  	s18 =	simm.s32 $0xE800  }
0x1e8: {  	[tilespmem:s18], [sflag:$0x2] =	stream.indirect_vreg.gather [hbm4b:s8+s2], $0x80, v3, vm0, $0xb8;
	[tilespmem:$0x18800] =	vst v63  }
0x1e9: {  	s19 =	simm.s32 $0xF000  }
0x1ea: {  	[tilespmem:s19], [sflag:$0x2] =	stream.indirect_vreg.gather [hbm4b:s9+s2], $0x80, v3, vm0, $0xb8;
	[tilespmem:$0x18800] =	vst v63  }
0x1eb: {  	s18 =	simm.s32 $0xF800  }
0x1ec: {  	[tilespmem:s18], [sflag:$0x2] =	stream.indirect_vreg.gather [hbm4b:s10+s2], $0x80, v3, vm0, $0xb8;
	[tilespmem:$0x18800] =	vst v63  }
0x1ed: {  	s19 =	simm.s32 $0x10000  }
0x1ee: {  	[tilespmem:s19], [sflag:$0x2] =	stream.indirect_vreg.gather [hbm4b:s11+s2], $0x80, v3, vm0, $0xb8;
	[tilespmem:$0x18800] =	vst v63  }
0x1ef: {  	_ =	swait.ge [sflag:s16], $0x8000  }
0x1f0: {  	[sflag:s16] =	ssyncset.done $0x0  }
0x1f1: {  	s12 =	simm.s32 $0x10800;
	s3 =	rddreg [dreg:$0xb];
	[sflag:s16] =	ssyncadd.s32 $0xFFFF8000  }
0x1f2: {  	[hbm4b:s3+s2] =	stream.linear.scatter [tilespmem:s12], [sflag:$0x6], $0x8000, $0x38;
	[tilespmem:$0x18800] =	vst v63  }
0x1f3: {  	_ =	swait.ge [sflag:s17], $0x8000  }
0x1f4: {  	[sflag:s17] =	ssyncset.done $0x0  }
0x1f5: {  	[sflag:s17] =	ssyncadd.s32 $0xFFFF8000  }
0x1f6: {  	v3 =	vld [tilespmem:$0x580];
	_ =	sdelay $0x4  }
0x1f7: {  	v59 =	vshll.u32 v3, $0x4  }
0x1f8: {  	v3 =	vand.u32 $0x7, v3;
	v4 =	vand.u32 $0xFFFFFF80, v59  }
0x1f9: {  	v3 =	vor.u32 v3, v4  }
0x1fa: {  	v4 =	vperm.xlane v3, v0;
	_ =	sdelay $0x1  }
0x1fb: {  	v4 =	vadd.s32 v1, v4;
	_ =	sdelay $0x4  }
0x1fc: {  	[tilespmem:s12], [sflag:$0x3] =	stream.indirect_vreg.gather [hbm4b:s4+s2], $0x80, v4, vm0, $0xb8;
	[tilespmem:$0x18800] =	vst v63  }
0x1fd: {  	_ = 	snop  }
0x1fe: {  	[tilespmem:s14], [sflag:$0x3] =	stream.indirect_vreg.gather [hbm4b:s5+s2], $0x80, v4, vm0, $0xb8;
	[tilespmem:$0x18800] =	vst v63  }
0x1ff: {  	s19 =	simm.s32 $0x11800  }
0x200: {  	[tilespmem:s19], [sflag:$0x3] =	stream.indirect_vreg.gather [hbm4b:s6+s2], $0x80, v4, vm0, $0xb8;
	[tilespmem:$0x18800] =	vst v63  }
0x201: {  	s12 =	simm.s32 $0x12000  }
0x202: {  	[tilespmem:s12], [sflag:$0x3] =	stream.indirect_vreg.gather [hbm4b:s7+s2], $0x80, v4, vm0, $0xb8;
	[tilespmem:$0x18800] =	vst v63  }
0x203: {  	s14 =	simm.s32 $0x12800  }
0x204: {  	[tilespmem:s14], [sflag:$0x3] =	stream.indirect_vreg.gather [hbm4b:s8+s2], $0x80, v4, vm0, $0xb8;
	[tilespmem:$0x18800] =	vst v63  }
0x205: {  	s18 =	simm.s32 $0x13000;
	v3 =	vperm.xlane v3, v2  }
0x206: {  	[tilespmem:s18], [sflag:$0x3] =	stream.indirect_vreg.gather [hbm4b:s9+s2], $0x80, v4, vm0, $0xb8;
	[tilespmem:$0x18800] =	vst v63  }
0x207: {  	v3 =	vadd.s32 v1, v3;
	s19 =	simm.s32 $0x13800  }
0x208: {  	[tilespmem:s19], [sflag:$0x3] =	stream.indirect_vreg.gather [hbm4b:s10+s2], $0x80, v4, vm0, $0xb8;
	[tilespmem:$0x18800] =	vst v63  }
0x209: {  	s12 =	simm.s32 $0x14000  }
0x20a: {  	[tilespmem:s12], [sflag:$0x3] =	stream.indirect_vreg.gather [hbm4b:s11+s2], $0x80, v4, vm0, $0xb8;
	[tilespmem:$0x18800] =	vst v63  }
0x20b: {  	s14 =	simm.s32 $0x14800  }
0x20c: {  	[tilespmem:s14], [sflag:$0x3] =	stream.indirect_vreg.gather [hbm4b:s4+s2], $0x80, v3, vm0, $0xb8;
	[tilespmem:$0x18800] =	vst v63  }
0x20d: {  	s18 =	simm.s32 $0x15000  }
0x20e: {  	[tilespmem:s18], [sflag:$0x3] =	stream.indirect_vreg.gather [hbm4b:s5+s2], $0x80, v3, vm0, $0xb8;
	[tilespmem:$0x18800] =	vst v63  }
0x20f: {  	s19 =	simm.s32 $0x15800  }
0x210: {  	[tilespmem:s19], [sflag:$0x3] =	stream.indirect_vreg.gather [hbm4b:s6+s2], $0x80, v3, vm0, $0xb8;
	[tilespmem:$0x18800] =	vst v63  }
0x211: {  	s12 =	simm.s32 $0x16000  }
0x212: {  	[tilespmem:s12], [sflag:$0x3] =	stream.indirect_vreg.gather [hbm4b:s7+s2], $0x80, v3, vm0, $0xb8;
	[tilespmem:$0x18800] =	vst v63  }
0x213: {  	s14 =	simm.s32 $0x16800  }
0x214: {  	[tilespmem:s14], [sflag:$0x3] =	stream.indirect_vreg.gather [hbm4b:s8+s2], $0x80, v3, vm0, $0xb8;
	[tilespmem:$0x18800] =	vst v63  }
0x215: {  	s18 =	simm.s32 $0x17000  }
0x216: {  	[tilespmem:s18], [sflag:$0x3] =	stream.indirect_vreg.gather [hbm4b:s9+s2], $0x80, v3, vm0, $0xb8;
	[tilespmem:$0x18800] =	vst v63  }
0x217: {  	s19 =	simm.s32 $0x17800  }
0x218: {  	[tilespmem:s19], [sflag:$0x3] =	stream.indirect_vreg.gather [hbm4b:s10+s2], $0x80, v3, vm0, $0xb8;
	[tilespmem:$0x18800] =	vst v63  }
0x219: {  	s12 =	simm.s32 $0x18000  }
0x21a: {  	[tilespmem:s12], [sflag:$0x3] =	stream.indirect_vreg.gather [hbm4b:s11+s2], $0x80, v3, vm0, $0xb8;
	[tilespmem:$0x18800] =	vst v63  }
0x21b: {  	_ =	swait.ge [sflag:s1], $0x8000  }
0x21c: {  	[sflag:s1] =	ssyncset.done $0x0  }
0x21d: {  	s14 =	rddreg [dreg:$0xc];
	[sflag:s1] =	ssyncadd.s32 $0xFFFF8000  }
0x21e: {  	[hbm4b:s14+s2] =	stream.linear.scatter [tilespmem:s21], [sflag:$0x4], $0x8000, $0x38;
	[tilespmem:$0x18800] =	vst v63  }
0x21f: {  	_ =	swait.ge [sflag:s0], $0x8000  }
0x220: {  	[sflag:s0] =	ssyncset.done $0x0  }
0x221: {  	[sflag:s0] =	ssyncadd.s32 $0xFFFF8000  }
0x222: {  	v3 =	vld [tilespmem:$0x600];
	_ =	sdelay $0x4  }
0x223: {  	v60 =	vshll.u32 v3, $0x4  }
0x224: {  	v3 =	vand.u32 $0x7, v3;
	v4 =	vand.u32 $0xFFFFFF80, v60  }
0x225: {  	v3 =	vor.u32 v3, v4  }
0x226: {  	v4 =	vperm.xlane v3, v0;
	_ =	sdelay $0x1  }
0x227: {  	v4 =	vadd.s32 v1, v4;
	_ =	sdelay $0x4  }
0x228: {  	[tilespmem:s21], [sflag:$0x1] =	stream.indirect_vreg.gather [hbm4b:s4+s2], $0x80, v4, vm0, $0xb8;
	[tilespmem:$0x18800] =	vst v63  }
0x229: {  	_ = 	snop  }
0x22a: {  	[tilespmem:s20], [sflag:$0x1] =	stream.indirect_vreg.gather [hbm4b:s5+s2], $0x80, v4, vm0, $0xb8;
	[tilespmem:$0x18800] =	vst v63  }
0x22b: {  	s19 =	simm.s32 $0x1800  }
0x22c: {  	[tilespmem:s19], [sflag:$0x1] =	stream.indirect_vreg.gather [hbm4b:s6+s2], $0x80, v4, vm0, $0xb8;
	[tilespmem:$0x18800] =	vst v63  }
0x22d: {  	_ = 	snop  }
0x22e: {  	[tilespmem:s13], [sflag:$0x1] =	stream.indirect_vreg.gather [hbm4b:s7+s2], $0x80, v4, vm0, $0xb8;
	[tilespmem:$0x18800] =	vst v63  }
0x22f: {  	_ = 	snop  }
0x230: {  	[tilespmem:s30], [sflag:$0x1] =	stream.indirect_vreg.gather [hbm4b:s8+s2], $0x80, v4, vm0, $0xb8;
	[tilespmem:$0x18800] =	vst v63  }
0x231: {  	v3 =	vperm.xlane v3, v2  }
0x232: {  	[tilespmem:s31], [sflag:$0x1] =	stream.indirect_vreg.gather [hbm4b:s9+s2], $0x80, v4, vm0, $0xb8;
	[tilespmem:$0x18800] =	vst v63  }
0x233: {  	v3 =	vadd.s32 v1, v3;
	s20 =	simm.s32 $0x3800  }
0x234: {  	[tilespmem:s20], [sflag:$0x1] =	stream.indirect_vreg.gather [hbm4b:s10+s2], $0x80, v4, vm0, $0xb8;
	[tilespmem:$0x18800] =	vst v63  }
0x235: {  	s12 =	simm.s32 $0x4000  }
0x236: {  	[tilespmem:s12], [sflag:$0x1] =	stream.indirect_vreg.gather [hbm4b:s11+s2], $0x80, v4, vm0, $0xb8;
	[tilespmem:$0x18800] =	vst v63  }
0x237: {  	s18 =	simm.s32 $0x4800  }
0x238: {  	[tilespmem:s18], [sflag:$0x1] =	stream.indirect_vreg.gather [hbm4b:s4+s2], $0x80, v3, vm0, $0xb8;
	[tilespmem:$0x18800] =	vst v63  }
0x239: {  	_ = 	snop  }
0x23a: {  	[tilespmem:s23], [sflag:$0x1] =	stream.indirect_vreg.gather [hbm4b:s5+s2], $0x80, v3, vm0, $0xb8;
	[tilespmem:$0x18800] =	vst v63  }
0x23b: {  	_ = 	snop  }
0x23c: {  	[tilespmem:s24], [sflag:$0x1] =	stream.indirect_vreg.gather [hbm4b:s6+s2], $0x80, v3, vm0, $0xb8;
	[tilespmem:$0x18800] =	vst v63  }
0x23d: {  	_ = 	snop  }
0x23e: {  	[tilespmem:s25], [sflag:$0x1] =	stream.indirect_vreg.gather [hbm4b:s7+s2], $0x80, v3, vm0, $0xb8;
	[tilespmem:$0x18800] =	vst v63  }
0x23f: {  	_ = 	snop  }
0x240: {  	[tilespmem:s26], [sflag:$0x1] =	stream.indirect_vreg.gather [hbm4b:s8+s2], $0x80, v3, vm0, $0xb8;
	[tilespmem:$0x18800] =	vst v63  }
0x241: {  	_ = 	snop  }
0x242: {  	[tilespmem:s28], [sflag:$0x1] =	stream.indirect_vreg.gather [hbm4b:s9+s2], $0x80, v3, vm0, $0xb8;
	[tilespmem:$0x18800] =	vst v63  }
0x243: {  	_ = 	snop  }
0x244: {  	[tilespmem:s29], [sflag:$0x1] =	stream.indirect_vreg.gather [hbm4b:s10+s2], $0x80, v3, vm0, $0xb8;
	[tilespmem:$0x18800] =	vst v63  }
0x245: {  	s20 =	simm.s32 $0x8000  }
0x246: {  	[tilespmem:s20], [sflag:$0x1] =	stream.indirect_vreg.gather [hbm4b:s11+s2], $0x80, v3, vm0, $0xb8;
	[tilespmem:$0x18800] =	vst v63  }
0x247: {  	_ =	swait.ge [sflag:s22], $0x8000  }
0x248: {  	[sflag:s22] =	ssyncset.done $0x0  }
0x249: {  	s20 =	simm.s32 $0x8800;
	s3 =	rddreg [dreg:$0xd];
	[sflag:s22] =	ssyncadd.s32 $0xFFFF8000  }
0x24a: {  	[hbm4b:s3+s2] =	stream.linear.scatter [tilespmem:s20], [sflag:$0x5], $0x8000, $0x38;
	[tilespmem:$0x18800] =	vst v63  }
0x24b: {  	_ =	swait.ge [sflag:s15], $0x8000  }
0x24c: {  	[sflag:s15] =	ssyncset.done $0x0  }
0x24d: {  	[sflag:s15] =	ssyncadd.s32 $0xFFFF8000  }
0x24e: {  	v3 =	vld [tilespmem:$0x680];
	_ =	sdelay $0x4  }
0x24f: {  	v61 =	vshll.u32 v3, $0x4  }
0x250: {  	v3 =	vand.u32 $0x7, v3;
	v4 =	vand.u32 $0xFFFFFF80, v61  }
0x251: {  	v3 =	vor.u32 v3, v4  }
0x252: {  	v4 =	vperm.xlane v3, v0;
	_ =	sdelay $0x1  }
0x253: {  	v4 =	vadd.s32 v1, v4;
	_ =	sdelay $0x4  }
0x254: {  	[tilespmem:s20], [sflag:$0x2] =	stream.indirect_vreg.gather [hbm4b:s4+s2], $0x80, v4, vm0, $0xb8;
	[tilespmem:$0x18800] =	vst v63  }
0x255: {  	s20 =	simm.s32 $0x9000  }
0x256: {  	[tilespmem:s20], [sflag:$0x2] =	stream.indirect_vreg.gather [hbm4b:s5+s2], $0x80, v4, vm0, $0xb8;
	[tilespmem:$0x18800] =	vst v63  }
0x257: {  	s20 =	simm.s32 $0x9800  }
0x258: {  	[tilespmem:s20], [sflag:$0x2] =	stream.indirect_vreg.gather [hbm4b:s6+s2], $0x80, v4, vm0, $0xb8;
	[tilespmem:$0x18800] =	vst v63  }
0x259: {  	s20 =	simm.s32 $0xA000  }
0x25a: {  	[tilespmem:s20], [sflag:$0x2] =	stream.indirect_vreg.gather [hbm4b:s7+s2], $0x80, v4, vm0, $0xb8;
	[tilespmem:$0x18800] =	vst v63  }
0x25b: {  	s20 =	simm.s32 $0xA800  }
0x25c: {  	[tilespmem:s20], [sflag:$0x2] =	stream.indirect_vreg.gather [hbm4b:s8+s2], $0x80, v4, vm0, $0xb8;
	[tilespmem:$0x18800] =	vst v63  }
0x25d: {  	v3 =	vperm.xlane v3, v2;
	s20 =	simm.s32 $0xB000  }
0x25e: {  	[tilespmem:s20], [sflag:$0x2] =	stream.indirect_vreg.gather [hbm4b:s9+s2], $0x80, v4, vm0, $0xb8;
	[tilespmem:$0x18800] =	vst v63  }
0x25f: {  	v3 =	vadd.s32 v1, v3;
	s20 =	simm.s32 $0xB800  }
0x260: {  	[tilespmem:s20], [sflag:$0x2] =	stream.indirect_vreg.gather [hbm4b:s10+s2], $0x80, v4, vm0, $0xb8;
	[tilespmem:$0x18800] =	vst v63  }
0x261: {  	s20 =	simm.s32 $0xC000  }
0x262: {  	[tilespmem:s20], [sflag:$0x2] =	stream.indirect_vreg.gather [hbm4b:s11+s2], $0x80, v4, vm0, $0xb8;
	[tilespmem:$0x18800] =	vst v63  }
0x263: {  	s20 =	simm.s32 $0xC800  }
0x264: {  	[tilespmem:s20], [sflag:$0x2] =	stream.indirect_vreg.gather [hbm4b:s4+s2], $0x80, v3, vm0, $0xb8;
	[tilespmem:$0x18800] =	vst v63  }
0x265: {  	s20 =	simm.s32 $0xD000  }
0x266: {  	[tilespmem:s20], [sflag:$0x2] =	stream.indirect_vreg.gather [hbm4b:s5+s2], $0x80, v3, vm0, $0xb8;
	[tilespmem:$0x18800] =	vst v63  }
0x267: {  	s20 =	simm.s32 $0xD800  }
0x268: {  	[tilespmem:s20], [sflag:$0x2] =	stream.indirect_vreg.gather [hbm4b:s6+s2], $0x80, v3, vm0, $0xb8;
	[tilespmem:$0x18800] =	vst v63  }
0x269: {  	s20 =	simm.s32 $0xE000  }
0x26a: {  	[tilespmem:s20], [sflag:$0x2] =	stream.indirect_vreg.gather [hbm4b:s7+s2], $0x80, v3, vm0, $0xb8;
	[tilespmem:$0x18800] =	vst v63  }
0x26b: {  	s20 =	simm.s32 $0xE800  }
0x26c: {  	[tilespmem:s20], [sflag:$0x2] =	stream.indirect_vreg.gather [hbm4b:s8+s2], $0x80, v3, vm0, $0xb8;
	[tilespmem:$0x18800] =	vst v63  }
0x26d: {  	s20 =	simm.s32 $0xF000  }
0x26e: {  	[tilespmem:s20], [sflag:$0x2] =	stream.indirect_vreg.gather [hbm4b:s9+s2], $0x80, v3, vm0, $0xb8;
	[tilespmem:$0x18800] =	vst v63  }
0x26f: {  	s20 =	simm.s32 $0xF800  }
0x270: {  	[tilespmem:s20], [sflag:$0x2] =	stream.indirect_vreg.gather [hbm4b:s10+s2], $0x80, v3, vm0, $0xb8;
	[tilespmem:$0x18800] =	vst v63  }
0x271: {  	s20 =	simm.s32 $0x10000  }
0x272: {  	[tilespmem:s20], [sflag:$0x2] =	stream.indirect_vreg.gather [hbm4b:s11+s2], $0x80, v3, vm0, $0xb8;
	[tilespmem:$0x18800] =	vst v63  }
0x273: {  	_ =	swait.ge [sflag:s16], $0x8000  }
0x274: {  	[sflag:s16] =	ssyncset.done $0x0  }
0x275: {  	s20 =	simm.s32 $0x10800;
	s18 =	rddreg [dreg:$0xe];
	[sflag:s16] =	ssyncadd.s32 $0xFFFF8000  }
0x276: {  	[hbm4b:s18+s2] =	stream.linear.scatter [tilespmem:s20], [sflag:$0x6], $0x8000, $0x38;
	[tilespmem:$0x18800] =	vst v63  }
0x277: {  	_ =	swait.ge [sflag:s17], $0x8000  }
0x278: {  	[sflag:s17] =	ssyncset.done $0x0  }
0x279: {  	[sflag:s17] =	ssyncadd.s32 $0xFFFF8000  }
0x27a: {  	v3 =	vld [tilespmem:$0x700];
	_ =	sdelay $0x4  }
0x27b: {  	v62 =	vshll.u32 v3, $0x4  }
0x27c: {  	v3 =	vand.u32 $0x7, v3;
	v4 =	vand.u32 $0xFFFFFF80, v62  }
0x27d: {  	v3 =	vor.u32 v3, v4  }
0x27e: {  	v4 =	vperm.xlane v3, v0;
	_ =	sdelay $0x1  }
0x27f: {  	v4 =	vadd.s32 v1, v4;
	_ =	sdelay $0x4  }
0x280: {  	[tilespmem:s20], [sflag:$0x3] =	stream.indirect_vreg.gather [hbm4b:s4+s2], $0x80, v4, vm0, $0xb8;
	[tilespmem:$0x18800] =	vst v63  }
0x281: {  	s18 =	simm.s32 $0x11000  }
0x282: {  	[tilespmem:s18], [sflag:$0x3] =	stream.indirect_vreg.gather [hbm4b:s5+s2], $0x80, v4, vm0, $0xb8;
	[tilespmem:$0x18800] =	vst v63  }
0x283: {  	s18 =	simm.s32 $0x11800  }
0x284: {  	[tilespmem:s18], [sflag:$0x3] =	stream.indirect_vreg.gather [hbm4b:s6+s2], $0x80, v4, vm0, $0xb8;
	[tilespmem:$0x18800] =	vst v63  }
0x285: {  	s18 =	simm.s32 $0x12000  }
0x286: {  	[tilespmem:s18], [sflag:$0x3] =	stream.indirect_vreg.gather [hbm4b:s7+s2], $0x80, v4, vm0, $0xb8;
	[tilespmem:$0x18800] =	vst v63  }
0x287: {  	s18 =	simm.s32 $0x12800  }
0x288: {  	[tilespmem:s18], [sflag:$0x3] =	stream.indirect_vreg.gather [hbm4b:s8+s2], $0x80, v4, vm0, $0xb8;
	[tilespmem:$0x18800] =	vst v63  }
0x289: {  	v3 =	vperm.xlane v3, v2;
	s18 =	simm.s32 $0x13000  }
0x28a: {  	[tilespmem:s18], [sflag:$0x3] =	stream.indirect_vreg.gather [hbm4b:s9+s2], $0x80, v4, vm0, $0xb8;
	[tilespmem:$0x18800] =	vst v63  }
0x28b: {  	v3 =	vadd.s32 v1, v3;
	s18 =	simm.s32 $0x13800  }
0x28c: {  	[tilespmem:s18], [sflag:$0x3] =	stream.indirect_vreg.gather [hbm4b:s10+s2], $0x80, v4, vm0, $0xb8;
	[tilespmem:$0x18800] =	vst v63  }
0x28d: {  	s18 =	simm.s32 $0x14000  }
0x28e: {  	[tilespmem:s18], [sflag:$0x3] =	stream.indirect_vreg.gather [hbm4b:s11+s2], $0x80, v4, vm0, $0xb8;
	[tilespmem:$0x18800] =	vst v63  }
0x28f: {  	s18 =	simm.s32 $0x14800  }
0x290: {  	[tilespmem:s18], [sflag:$0x3] =	stream.indirect_vreg.gather [hbm4b:s4+s2], $0x80, v3, vm0, $0xb8;
	[tilespmem:$0x18800] =	vst v63  }
0x291: {  	s18 =	simm.s32 $0x15000  }
0x292: {  	[tilespmem:s18], [sflag:$0x3] =	stream.indirect_vreg.gather [hbm4b:s5+s2], $0x80, v3, vm0, $0xb8;
	[tilespmem:$0x18800] =	vst v63  }
0x293: {  	s18 =	simm.s32 $0x15800  }
0x294: {  	[tilespmem:s18], [sflag:$0x3] =	stream.indirect_vreg.gather [hbm4b:s6+s2], $0x80, v3, vm0, $0xb8;
	[tilespmem:$0x18800] =	vst v63  }
0x295: {  	s18 =	simm.s32 $0x16000  }
0x296: {  	[tilespmem:s18], [sflag:$0x3] =	stream.indirect_vreg.gather [hbm4b:s7+s2], $0x80, v3, vm0, $0xb8;
	[tilespmem:$0x18800] =	vst v63  }
0x297: {  	s18 =	simm.s32 $0x16800  }
0x298: {  	[tilespmem:s18], [sflag:$0x3] =	stream.indirect_vreg.gather [hbm4b:s8+s2], $0x80, v3, vm0, $0xb8;
	[tilespmem:$0x18800] =	vst v63  }
0x299: {  	s18 =	simm.s32 $0x17000  }
0x29a: {  	[tilespmem:s18], [sflag:$0x3] =	stream.indirect_vreg.gather [hbm4b:s9+s2], $0x80, v3, vm0, $0xb8;
	[tilespmem:$0x18800] =	vst v63  }
0x29b: {  	s18 =	simm.s32 $0x17800  }
0x29c: {  	[tilespmem:s18], [sflag:$0x3] =	stream.indirect_vreg.gather [hbm4b:s10+s2], $0x80, v3, vm0, $0xb8;
	[tilespmem:$0x18800] =	vst v63  }
0x29d: {  	s18 =	simm.s32 $0x18000  }
0x29e: {  	[tilespmem:s18], [sflag:$0x3] =	stream.indirect_vreg.gather [hbm4b:s11+s2], $0x80, v3, vm0, $0xb8;
	[tilespmem:$0x18800] =	vst v63  }
0x29f: {  	_ =	swait.ge [sflag:s1], $0x8000  }
0x2a0: {  	[sflag:s1] =	ssyncset.done $0x0  }
0x2a1: {  	s18 =	rddreg [dreg:$0xf];
	[sflag:s1] =	ssyncadd.s32 $0xFFFF8000  }
0x2a2: {  	[hbm4b:s18+s2] =	stream.linear.scatter [tilespmem:s21], [sflag:$0x4], $0x8000, $0x38;
	[tilespmem:$0x18800] =	vst v63  }
0x2a3: {  	_ =	swait.ge [sflag:s0], $0x8000  }
0x2a4: {  	[sflag:s0] =	ssyncset.done $0x0  }
0x2a5: {  	[sflag:s0] =	ssyncadd.s32 $0xFFFF8000  }
0x2a6: {  	v3 =	vld [tilespmem:$0x780];
	_ =	sdelay $0x4  }
0x2a7: {  	v63 =	vshll.u32 v3, $0x4  }
0x2a8: {  	v3 =	vand.u32 $0x7, v3;
	v4 =	vand.u32 $0xFFFFFF80, v63  }
0x2a9: {  	v3 =	vor.u32 v3, v4  }
0x2aa: {  	v4 =	vperm.xlane v3, v0;
	_ =	sdelay $0x1  }
0x2ab: {  	v4 =	vadd.s32 v1, v4;
	_ =	sdelay $0x4  }
0x2ac: {  	[tilespmem:s21], [sflag:$0x1] =	stream.indirect_vreg.gather [hbm4b:s4+s2], $0x80, v4, vm0, $0xb8;
	[tilespmem:$0x18800] =	vst v63  }
0x2ad: {  	s18 =	simm.s32 $0x1000  }
0x2ae: {  	[tilespmem:s18], [sflag:$0x1] =	stream.indirect_vreg.gather [hbm4b:s5+s2], $0x80, v4, vm0, $0xb8;
	[tilespmem:$0x18800] =	vst v63  }
0x2af: {  	s18 =	simm.s32 $0x1800  }
0x2b0: {  	[tilespmem:s18], [sflag:$0x1] =	stream.indirect_vreg.gather [hbm4b:s6+s2], $0x80, v4, vm0, $0xb8;
	[tilespmem:$0x18800] =	vst v63  }
0x2b1: {  	s13 =	simm.s32 $0x2000  }
0x2b2: {  	[tilespmem:s13], [sflag:$0x1] =	stream.indirect_vreg.gather [hbm4b:s7+s2], $0x80, v4, vm0, $0xb8;
	[tilespmem:$0x18800] =	vst v63  }
0x2b3: {  	s30 =	simm.s32 $0x2800  }
0x2b4: {  	[tilespmem:s30], [sflag:$0x1] =	stream.indirect_vreg.gather [hbm4b:s8+s2], $0x80, v4, vm0, $0xb8;
	[tilespmem:$0x18800] =	vst v63  }
0x2b5: {  	s31 =	simm.s32 $0x3000;
	v3 =	vperm.xlane v3, v2  }
0x2b6: {  	[tilespmem:s31], [sflag:$0x1] =	stream.indirect_vreg.gather [hbm4b:s9+s2], $0x80, v4, vm0, $0xb8;
	[tilespmem:$0x18800] =	vst v63  }
0x2b7: {  	s14 =	simm.s32 $0x3800;
	v3 =	vadd.s32 v1, v3  }
0x2b8: {  	[tilespmem:s14], [sflag:$0x1] =	stream.indirect_vreg.gather [hbm4b:s10+s2], $0x80, v4, vm0, $0xb8;
	[tilespmem:$0x18800] =	vst v63  }
0x2b9: {  	s19 =	simm.s32 $0x4000  }
0x2ba: {  	[tilespmem:s19], [sflag:$0x1] =	stream.indirect_vreg.gather [hbm4b:s11+s2], $0x80, v4, vm0, $0xb8;
	[tilespmem:$0x18800] =	vst v63  }
0x2bb: {  	s12 =	simm.s32 $0x4800  }
0x2bc: {  	[tilespmem:s12], [sflag:$0x1] =	stream.indirect_vreg.gather [hbm4b:s4+s2], $0x80, v3, vm0, $0xb8;
	[tilespmem:$0x18800] =	vst v63  }
0x2bd: {  	s23 =	simm.s32 $0x5000  }
0x2be: {  	[tilespmem:s23], [sflag:$0x1] =	stream.indirect_vreg.gather [hbm4b:s5+s2], $0x80, v3, vm0, $0xb8;
	[tilespmem:$0x18800] =	vst v63  }
0x2bf: {  	s24 =	simm.s32 $0x5800  }
0x2c0: {  	[tilespmem:s24], [sflag:$0x1] =	stream.indirect_vreg.gather [hbm4b:s6+s2], $0x80, v3, vm0, $0xb8;
	[tilespmem:$0x18800] =	vst v63  }
0x2c1: {  	s25 =	simm.s32 $0x6000  }
0x2c2: {  	[tilespmem:s25], [sflag:$0x1] =	stream.indirect_vreg.gather [hbm4b:s7+s2], $0x80, v3, vm0, $0xb8;
	[tilespmem:$0x18800] =	vst v63  }
0x2c3: {  	s26 =	simm.s32 $0x6800  }
0x2c4: {  	[tilespmem:s26], [sflag:$0x1] =	stream.indirect_vreg.gather [hbm4b:s8+s2], $0x80, v3, vm0, $0xb8;
	[tilespmem:$0x18800] =	vst v63  }
0x2c5: {  	s28 =	simm.s32 $0x7000  }
0x2c6: {  	[tilespmem:s28], [sflag:$0x1] =	stream.indirect_vreg.gather [hbm4b:s9+s2], $0x80, v3, vm0, $0xb8;
	[tilespmem:$0x18800] =	vst v63  }
0x2c7: {  	s29 =	simm.s32 $0x7800  }
0x2c8: {  	[tilespmem:s29], [sflag:$0x1] =	stream.indirect_vreg.gather [hbm4b:s10+s2], $0x80, v3, vm0, $0xb8;
	[tilespmem:$0x18800] =	vst v63  }
0x2c9: {  	s26 =	simm.s32 $0x8000  }
0x2ca: {  	[tilespmem:s26], [sflag:$0x1] =	stream.indirect_vreg.gather [hbm4b:s11+s2], $0x80, v3, vm0, $0xb8;
	[tilespmem:$0x18800] =	vst v63  }
0x2cb: {  	_ =	swait.ge [sflag:s22], $0x8000  }
0x2cc: {  	[sflag:s22] =	ssyncset.done $0x0  }
0x2cd: {  	s3 =	simm.s32 $0x8800;
	s28 =	rddreg [dreg:$0x10];
	[sflag:s22] =	ssyncadd.s32 $0xFFFF8000  }
0x2ce: {  	[hbm4b:s28+s2] =	stream.linear.scatter [tilespmem:s3], [sflag:$0x5], $0x8000, $0x38;
	[tilespmem:$0x18800] =	vst v63  }
0x2cf: {  	_ =	swait.ge [sflag:s16], $0x8000  }
0x2d0: {  	[sflag:s16] =	ssyncset.done $0x0  }
0x2d1: {  	s20 =	simm.s32 $0x10800;
	s29 =	rddreg [dreg:$0x11];
	[sflag:s16] =	ssyncadd.s32 $0xFFFF8000  }
0x2d2: {  	[hbm4b:s29+s2] =	stream.linear.scatter [tilespmem:s20], [sflag:$0x6], $0x8000, $0x38;
	[tilespmem:$0x18800] =	vst v63  }
0x2d3: {  	_ =	swait.ge [sflag:s1], $0x8000  }
0x2d4: {  	[sflag:s1] =	ssyncset.done $0x0  }
0x2d5: {  	s30 =	rddreg [dreg:$0x12];
	[sflag:s1] =	ssyncadd.s32 $0xFFFF8000  }
0x2d6: {  	[hbm4b:s30+s2] =	stream.linear.scatter [tilespmem:s21], [sflag:$0x4], $0x8000, $0x38;
	[tilespmem:$0x18800] =	vst v63  }
0x2d7: {  	s31 =	rddreg [dreg:$0x14];
	_ =	swait.ge [sflag:s15], $0x8000  }
0x2d8: {  	[sflag:s15] =	ssyncset.done $0x0  }
0x2d9: {  	[sflag:s15] =	ssyncadd.s32 $0xFFFF8000  }
0x2da: {  	p0 =	sne.s32 s31, $0x1;
	_ =	swait.ge [sflag:s17], $0x8000  }
.Ltmp0:
0x2db: {  	[sflag:s17] =	ssyncset.done $0x0;
	(pc) =	sbr.rel @p0 .LBB2_1-.Ltmp0, $4  }
0x2dc: {  	[sflag:s17] =	ssyncadd.s32 $0xFFFF8000  }
0x2dd: {  	_ =	swait.ge [sflag:s0], $0x8000  }
0x2de: {  	[sflag:s0] =	ssyncset.done $0x0  }
0x2df: {  	s12 =	sadd.s32 $0xFFFFFFFF, s31;
	[sflag:s0] =	ssyncadd.s32 $0xFFFF8000  }
0x2e0: {  	_ =	sfence.sel $0x180000  }
0x2e1: {  	[bflag:$0x0] =	sbarrier.arrive $0xFFFF  }
0x2e2: {  	_ =	strace $0x90000047  }
0x2e3: {  	s0 =	stileid.u32;
	[bflag:$0x2] =	sbarrier.arrive $0xFFFF  }
0x2e4: {  	p0 =	sne.s32 s0, $0x0;
	s0 =	rddreg [dreg:$0x2]  }
0x2e5: {  	s0 =	sadd.s32 @!p0 $0x100000, s0  }
0x2e6: {  	[sflag:s0] =	ssyncadd.tile.s32 @!p0 $0x1;
	_ =	shalt  }
.Lfunc_end2:
_tile_overlayer_lowered:
.L_overlay_start_2:
0x2e7: {  	(tag) =	ssettag $0x2  }
0x2e8: {  	s0 =	rddreg [dreg:$0x0];
	s2 =	stileid.u32  }
0x2e9: {  	s1 =	rddreg [dreg:$0x1];
	p0 =	sne.s32 s2, $0x0  }
0x2ea: {  	s3 =	rddreg [dreg:$0x2];
	[bflag:$0x3] =	sbarrier.arrive $0xFFFF;
	s2 =	simm.s32 @!p0 $0x1C07  }
0x2eb: {  	[timem:s3], [sflag:s2] =	dma.local @!p0 [hbm:s0], s1  }
0x2ec: {  	s0 =	simm.s32 @!p0 $0x7  }
0x2ed: {  	_ =	swait.ge @!p0 [sflag:s0], s1  }
0x2ee: {  	s1 =	ssub.s32 @!p0 $0x0, s1;
	[sflag:s0] =	ssyncset.done @!p0 $0x0  }
0x2ef: {  	[sflag:s0] =	ssyncadd.s32 @!p0 s1  }
0x2f0: {  	[bflag:$0x3] =	sbarrier.arrive $0xFFFF  }
0x2f1: {  	_ =	shalt  }

</sc_bundles>
